<compile_context>
chip_gen: v7x
topology: tpu7x:2x2x1
jax: 0.10.2.dev20260603
libtpu: 0.0.44.dev20260713+nightly
codegen_flags: <defaults>
</compile_context>

<pallas_src>
import functools

import jax
import jax.numpy as jnp
from jax import lax
from jax.experimental import pallas as pl
from jax.experimental.pallas import tpu as pltpu
from jax.experimental.pallas import tpu_sc as plsc

N_CORES = 2
N_SUBCORES = 16
N_WORKERS = N_CORES * N_SUBCORES

D = 1024
B = 4 * 8192
B_PER_W = B // N_WORKERS
CHUNK = 16
NBUF = 4
N_CHUNKS = B_PER_W // CHUNK


def _sc_gather(table, idx):
    mesh = plsc.VectorSubcoreMesh(core_axis_name="c", subcore_axis_name="s")

    @functools.partial(
        pl.kernel,
        mesh=mesh,
        out_type=jax.ShapeDtypeStruct((B, D), jnp.float32),
        scratch_types=[
            pltpu.VMEM((B_PER_W,), jnp.int32),
            pltpu.VMEM((NBUF, CHUNK, D), jnp.float32),
        ]
        + [pltpu.SemaphoreType.DMA] * (2 * NBUF),
    )
    def k(table_hbm, idx_hbm, out_hbm, idx_v, rows_v, *sems):
        gsem, wsem = sems[:NBUF], sems[NBUF:]
        wid = lax.axis_index("s") * N_CORES + lax.axis_index("c")
        base = wid * B_PER_W
        pltpu.sync_copy(idx_hbm.at[pl.ds(base, B_PER_W)], idx_v)

        def gcopy(i, s):
            return pltpu.make_async_copy(
                table_hbm.at[idx_v.at[pl.ds(i * CHUNK, CHUNK)]],
                rows_v.at[s],
                gsem[s],
            )

        def wcopy(i, s):
            return pltpu.make_async_copy(
                rows_v.at[s],
                out_hbm.at[pl.ds(base + i * CHUNK, CHUNK)],
                wsem[s],
            )

        for m in range(NBUF - 1):
            gcopy(m, m).start()
        gcopy(0, 0).wait()
        wcopy(0, 0).start()
        gcopy(NBUF - 1, NBUF - 1).start()

        @pl.loop(0, (N_CHUNKS - NBUF) // NBUF)
        def _(blk):
            ibase = 1 + blk * NBUF
            for kk in range(NBUF):
                i = ibase + kk
                s = (1 + kk) % NBUF
                sp = (s - 1) % NBUF
                wcopy(i - 1, sp).wait()
                gcopy(i + NBUF - 1, sp).start()
                gcopy(i, s).wait()
                wcopy(i, s).start()

        for i in range(N_CHUNKS - NBUF + 1, N_CHUNKS):
            s = i % NBUF
            gcopy(i, s).wait()
            wcopy(i, s).start()
        for i in range(N_CHUNKS - NBUF, N_CHUNKS):
            wcopy(i, i % NBUF).wait()

    return k(table, idx)


def kernel(positions, positional_embeddings):
    idx = positions.reshape(-1).astype(jnp.int32)
    out = _sc_gather(positional_embeddings, idx)
    return out.reshape(positions.shape + (positional_embeddings.shape[1],))

# --- scband reference (transcript-rebuilt; emitter-appended) ---
"""Pipeline reference for scband-learned-sinusoidal-embeddings-712964571681 (READ-ONLY COPY).

The authoritative reference and input builder live on the scoring server;
editing this copy changes nothing except your own understanding.
"""

import math
import jax, jax.numpy as jnp
import numpy as np

N_CTX = 8192
N_STATE = 1024

def _build_sinusoidal_table():
    position = np.arange(0, N_CTX, dtype=np.float32)[:, None]
    div_term = np.exp(np.arange(0, N_STATE, 2, dtype=np.float32) * -(math.log(10000.0) / N_STATE))
    features = np.zeros((N_CTX, N_STATE), dtype=np.float32)
    features[:, 0::2] = np.sin(position * div_term)
    features[:, 1::2] = np.cos(position * div_term)
    return jnp.asarray(features)

def setup_inputs(seed: int = 0) -> dict:
    key = jax.random.key(seed)
    positions = jax.random.randint(key, (4, 8192), 0, N_CTX, dtype=jnp.int64 if jax.config.jax_enable_x64 else jnp.int32)
    positional_embeddings = _build_sinusoidal_table()
    return {"positions": positions, "positional_embeddings": positional_embeddings}

def reference(positions, positional_embeddings):
    # LearnedSinusoidalEmbeddings.forward: position_embeddings = self.positional_embeddings[positions]
    return jnp.take(positional_embeddings, positions, axis=0)

if __name__ == "__main__":
    import jax
    _d = setup_inputs()
    print(jax.jit(kernel)(*tuple(_d.values())))

</pallas_src>

<mosaic_0001>
#map = affine_map<(d0, d1) -> (0, 0)>
#map1 = affine_map<(d0, d1) -> (0)>
module attributes {stable_mosaic.version = 14 : i64} {
  func.func @k(%arg0: i32, %arg1: i32, %arg2: memref<8192x1024xf32, #tpu.memory_space<hbm>>, %arg3: memref<32768xi32, #tpu.memory_space<hbm>>, %arg4: memref<32768x1024xf32, #tpu.memory_space<hbm>>, %arg5: memref<1024xi32, #tpu.memory_space<vmem>>, %arg6: memref<4x16x1024xf32, #tpu.memory_space<vmem>>, %arg7: memref<!tpu.dma_semaphore, #tpu.memory_space<semaphore_mem>>, %arg8: memref<!tpu.dma_semaphore, #tpu.memory_space<semaphore_mem>>, %arg9: memref<!tpu.dma_semaphore, #tpu.memory_space<semaphore_mem>>, %arg10: memref<!tpu.dma_semaphore, #tpu.memory_space<semaphore_mem>>, %arg11: memref<!tpu.dma_semaphore, #tpu.memory_space<semaphore_mem>>, %arg12: memref<!tpu.dma_semaphore, #tpu.memory_space<semaphore_mem>>, %arg13: memref<!tpu.dma_semaphore, #tpu.memory_space<semaphore_mem>>, %arg14: memref<!tpu.dma_semaphore, #tpu.memory_space<semaphore_mem>>) attributes {dimension_semantics = [#tpu.dimension_semantics<core_parallel>, #tpu.dimension_semantics<subcore_parallel>], iteration_bounds = array<i64: 2, 16>, scalar_prefetch = 0 : i64, scratch_operands = 10 : i64, tpu.core_type = #tpu.core_type<sc_vector_subcore>, window_params = [{transform_indices = #map}, {transform_indices = #map1}, {transform_indices = #map}]} {
    %mul3A = arith.constant 2 : i32
    %mul3A_0 = arith.muli %arg1, %mul3A : i32
    %add3A = arith.addi %mul3A_0, %arg0 : i32
    %mul3A_1 = arith.constant 1024 : i32
    %mul3A_2 = arith.muli %add3A, %mul3A_1 : i32
    "tpu.region"() ({
      %run_scoped3A = tpu.sem_alloc : memref<!tpu.dma_semaphore, #tpu.memory_space<semaphore_mem>>
      %dma_start3A_205 = tpu.memref_slice %arg3[%mul3A_2] : memref<32768xi32, #tpu.memory_space<hbm>> -> memref<1024xi32, #tpu.memory_space<hbm>>
      %dma_start3A_206 = tpu.memref_slice %arg3[%mul3A_2] : memref<32768xi32, #tpu.memory_space<hbm>> -> memref<1024xi32, #tpu.memory_space<hbm>>
      tpu.enqueue_dma source(%dma_start3A_206 : memref<1024xi32, #tpu.memory_space<hbm>>) target(%arg5 : memref<1024xi32, #tpu.memory_space<vmem>>) target_semaphore(%run_scoped3A : memref<!tpu.dma_semaphore, #tpu.memory_space<semaphore_mem>>)
      %dma_wait3A_207 = tpu.memref_slice %arg3[%mul3A_2] : memref<32768xi32, #tpu.memory_space<hbm>> -> memref<1024xi32, #tpu.memory_space<hbm>>
      %dma_wait3A_208 = tpu.memref_slice %arg3[%mul3A_2] : memref<32768xi32, #tpu.memory_space<hbm>> -> memref<1024xi32, #tpu.memory_space<hbm>>
      tpu.wait_dma2 semaphore(%run_scoped3A : memref<!tpu.dma_semaphore, #tpu.memory_space<semaphore_mem>>) src(%dma_wait3A_208 : memref<1024xi32, #tpu.memory_space<hbm>>) dst(%arg5 : memref<1024xi32, #tpu.memory_space<vmem>>)
      tpu.yield
    }) : () -> ()
    %dma_start3A = arith.constant 0 : i32
    %dma_start3A_3 = arith.constant 0 : i32
    %dma_start3A_4 = arith.constant 0 : i32
    %dma_start3A_5 = tpu.memref_slice %arg6[%dma_start3A, %dma_start3A_3, %dma_start3A_4] : memref<4x16x1024xf32, #tpu.memory_space<vmem>> -> memref<1x16x1024xf32, #tpu.memory_space<vmem>>
    %dma_start3A_6 = tpu.memref_squeeze %dma_start3A_5 : memref<1x16x1024xf32, #tpu.memory_space<vmem>> -> memref<16x1024xf32, #tpu.memory_space<vmem>>
    %dma_start3A_7 = arith.constant 0 : i32
    %dma_start3A_8 = tpu.memref_slice %arg5[%dma_start3A_7] : memref<1024xi32, #tpu.memory_space<vmem>> -> memref<16xi32, #tpu.memory_space<vmem>>
    %dma_start3A_9 = arith.constant 0 : i32
    %dma_start3A_10 = arith.constant 0 : i32
    %dma_start3A_11 = tpu.memref_slice %arg2[%dma_start3A_9, %dma_start3A_10] : memref<8192x1024xf32, #tpu.memory_space<hbm>> -> memref<8192x1024xf32, #tpu.memory_space<hbm>>
    tpu.enqueue_indirect_dma source(%dma_start3A_11 : memref<8192x1024xf32, #tpu.memory_space<hbm>>) target(%dma_start3A_6 : memref<16x1024xf32, #tpu.memory_space<vmem>>) offsets(%dma_start3A_8 : memref<16xi32, #tpu.memory_space<vmem>>) semaphore(%arg7 : memref<!tpu.dma_semaphore, #tpu.memory_space<semaphore_mem>>)
    %dma_start3A_12 = arith.constant 1 : i32
    %dma_start3A_13 = arith.constant 0 : i32
    %dma_start3A_14 = arith.constant 0 : i32
    %dma_start3A_15 = tpu.memref_slice %arg6[%dma_start3A_12, %dma_start3A_13, %dma_start3A_14] : memref<4x16x1024xf32, #tpu.memory_space<vmem>> -> memref<1x16x1024xf32, #tpu.memory_space<vmem>>
    %dma_start3A_16 = tpu.memref_squeeze %dma_start3A_15 : memref<1x16x1024xf32, #tpu.memory_space<vmem>> -> memref<16x1024xf32, #tpu.memory_space<vmem>>
    %dma_start3A_17 = arith.constant 16 : i32
    %dma_start3A_18 = tpu.memref_slice %arg5[%dma_start3A_17] : memref<1024xi32, #tpu.memory_space<vmem>> -> memref<16xi32, #tpu.memory_space<vmem>>
    %dma_start3A_19 = arith.constant 0 : i32
    %dma_start3A_20 = arith.constant 0 : i32
    %dma_start3A_21 = tpu.memref_slice %arg2[%dma_start3A_19, %dma_start3A_20] : memref<8192x1024xf32, #tpu.memory_space<hbm>> -> memref<8192x1024xf32, #tpu.memory_space<hbm>>
    tpu.enqueue_indirect_dma source(%dma_start3A_21 : memref<8192x1024xf32, #tpu.memory_space<hbm>>) target(%dma_start3A_16 : memref<16x1024xf32, #tpu.memory_space<vmem>>) offsets(%dma_start3A_18 : memref<16xi32, #tpu.memory_space<vmem>>) semaphore(%arg8 : memref<!tpu.dma_semaphore, #tpu.memory_space<semaphore_mem>>)
    %dma_start3A_22 = arith.constant 2 : i32
    %dma_start3A_23 = arith.constant 0 : i32
    %dma_start3A_24 = arith.constant 0 : i32
    %dma_start3A_25 = tpu.memref_slice %arg6[%dma_start3A_22, %dma_start3A_23, %dma_start3A_24] : memref<4x16x1024xf32, #tpu.memory_space<vmem>> -> memref<1x16x1024xf32, #tpu.memory_space<vmem>>
    %dma_start3A_26 = tpu.memref_squeeze %dma_start3A_25 : memref<1x16x1024xf32, #tpu.memory_space<vmem>> -> memref<16x1024xf32, #tpu.memory_space<vmem>>
    %dma_start3A_27 = arith.constant 32 : i32
    %dma_start3A_28 = tpu.memref_slice %arg5[%dma_start3A_27] : memref<1024xi32, #tpu.memory_space<vmem>> -> memref<16xi32, #tpu.memory_space<vmem>>
    %dma_start3A_29 = arith.constant 0 : i32
    %dma_start3A_30 = arith.constant 0 : i32
    %dma_start3A_31 = tpu.memref_slice %arg2[%dma_start3A_29, %dma_start3A_30] : memref<8192x1024xf32, #tpu.memory_space<hbm>> -> memref<8192x1024xf32, #tpu.memory_space<hbm>>
    tpu.enqueue_indirect_dma source(%dma_start3A_31 : memref<8192x1024xf32, #tpu.memory_space<hbm>>) target(%dma_start3A_26 : memref<16x1024xf32, #tpu.memory_space<vmem>>) offsets(%dma_start3A_28 : memref<16xi32, #tpu.memory_space<vmem>>) semaphore(%arg9 : memref<!tpu.dma_semaphore, #tpu.memory_space<semaphore_mem>>)
    %dma_wait3A = arith.constant 0 : i32
    %dma_wait3A_32 = arith.constant 0 : i32
    %dma_wait3A_33 = arith.constant 0 : i32
    %dma_wait3A_34 = tpu.memref_slice %arg6[%dma_wait3A, %dma_wait3A_32, %dma_wait3A_33] : memref<4x16x1024xf32, #tpu.memory_space<vmem>> -> memref<1x16x1024xf32, #tpu.memory_space<vmem>>
    %dma_wait3A_35 = tpu.memref_squeeze %dma_wait3A_34 : memref<1x16x1024xf32, #tpu.memory_space<vmem>> -> memref<16x1024xf32, #tpu.memory_space<vmem>>
    %dma_wait3A_36 = arith.constant 0 : i32
    %dma_wait3A_37 = tpu.memref_slice %arg5[%dma_wait3A_36] : memref<1024xi32, #tpu.memory_space<vmem>> -> memref<16xi32, #tpu.memory_space<vmem>>
    %dma_wait3A_38 = arith.constant 0 : i32
    %dma_wait3A_39 = arith.constant 0 : i32
    %dma_wait3A_40 = tpu.memref_slice %arg2[%dma_wait3A_38, %dma_wait3A_39] : memref<8192x1024xf32, #tpu.memory_space<hbm>> -> memref<8192x1024xf32, #tpu.memory_space<hbm>>
    tpu.wait_indirect_dma semaphore(%arg7 : memref<!tpu.dma_semaphore, #tpu.memory_space<semaphore_mem>>) src(%dma_wait3A_40 : memref<8192x1024xf32, #tpu.memory_space<hbm>>) dst(%dma_wait3A_35 : memref<16x1024xf32, #tpu.memory_space<vmem>>)
    %add3A_41 = arith.constant 0 : i32
    %add3A_42 = arith.addi %mul3A_2, %add3A_41 : i32
    %dma_start3A_43 = arith.constant 0 : i32
    %dma_start3A_44 = arith.constant 0 : i32
    %dma_start3A_45 = arith.constant 0 : i32
    %dma_start3A_46 = tpu.memref_slice %arg6[%dma_start3A_43, %dma_start3A_44, %dma_start3A_45] : memref<4x16x1024xf32, #tpu.memory_space<vmem>> -> memref<1x16x1024xf32, #tpu.memory_space<vmem>>
    %dma_start3A_47 = tpu.memref_squeeze %dma_start3A_46 : memref<1x16x1024xf32, #tpu.memory_space<vmem>> -> memref<16x1024xf32, #tpu.memory_space<vmem>>
    %dma_start3A_48 = arith.constant 0 : i32
    %dma_start3A_49 = tpu.memref_slice %arg4[%add3A_42, %dma_start3A_48] : memref<32768x1024xf32, #tpu.memory_space<hbm>> -> memref<16x1024xf32, #tpu.memory_space<hbm>>
    %dma_start3A_50 = arith.constant 0 : i32
    %dma_start3A_51 = tpu.memref_slice %arg4[%add3A_42, %dma_start3A_50] : memref<32768x1024xf32, #tpu.memory_space<hbm>> -> memref<16x1024xf32, #tpu.memory_space<hbm>>
    %dma_start3A_52 = arith.constant 0 : i32
    %dma_start3A_53 = arith.constant 0 : i32
    %dma_start3A_54 = tpu.memref_slice %arg6[%dma_start3A_43, %dma_start3A_52, %dma_start3A_53] : memref<4x16x1024xf32, #tpu.memory_space<vmem>> -> memref<1x16x1024xf32, #tpu.memory_space<vmem>>
    %dma_start3A_55 = tpu.memref_squeeze %dma_start3A_54 : memref<1x16x1024xf32, #tpu.memory_space<vmem>> -> memref<16x1024xf32, #tpu.memory_space<vmem>>
    tpu.enqueue_dma source(%dma_start3A_55 : memref<16x1024xf32, #tpu.memory_space<vmem>>) target(%dma_start3A_51 : memref<16x1024xf32, #tpu.memory_space<hbm>>) target_semaphore(%arg11 : memref<!tpu.dma_semaphore, #tpu.memory_space<semaphore_mem>>)
    %dma_start3A_56 = arith.constant 3 : i32
    %dma_start3A_57 = arith.constant 0 : i32
    %dma_start3A_58 = arith.constant 0 : i32
    %dma_start3A_59 = tpu.memref_slice %arg6[%dma_start3A_56, %dma_start3A_57, %dma_start3A_58] : memref<4x16x1024xf32, #tpu.memory_space<vmem>> -> memref<1x16x1024xf32, #tpu.memory_space<vmem>>
    %dma_start3A_60 = tpu.memref_squeeze %dma_start3A_59 : memref<1x16x1024xf32, #tpu.memory_space<vmem>> -> memref<16x1024xf32, #tpu.memory_space<vmem>>
    %dma_start3A_61 = arith.constant 48 : i32
    %dma_start3A_62 = tpu.memref_slice %arg5[%dma_start3A_61] : memref<1024xi32, #tpu.memory_space<vmem>> -> memref<16xi32, #tpu.memory_space<vmem>>
    %dma_start3A_63 = arith.constant 0 : i32
    %dma_start3A_64 = arith.constant 0 : i32
    %dma_start3A_65 = tpu.memref_slice %arg2[%dma_start3A_63, %dma_start3A_64] : memref<8192x1024xf32, #tpu.memory_space<hbm>> -> memref<8192x1024xf32, #tpu.memory_space<hbm>>
    tpu.enqueue_indirect_dma source(%dma_start3A_65 : memref<8192x1024xf32, #tpu.memory_space<hbm>>) target(%dma_start3A_60 : memref<16x1024xf32, #tpu.memory_space<vmem>>) offsets(%dma_start3A_62 : memref<16xi32, #tpu.memory_space<vmem>>) semaphore(%arg10 : memref<!tpu.dma_semaphore, #tpu.memory_space<semaphore_mem>>)
    %scan3A = arith.constant 0 : i32
    %scan3A_66 = arith.constant 15 : i32
    %scan3A_67 = arith.addi %scan3A, %scan3A_66 : i32
    %scan3A_68 = arith.constant 1 : i32
    scf.for %scan3A_205 = %scan3A to %scan3A_67 step %scan3A_68  : i32 {
      %mul3A_206 = arith.constant 1 : i32
      %mul3A_207 = arith.muli %scan3A_205, %mul3A_206 : i32
      %add3A_208 = arith.constant 0 : i32
      %add3A_209 = arith.addi %add3A_208, %mul3A_207 : i32
      %mul3A_210 = arith.constant 4 : i32
      %mul3A_211 = arith.muli %add3A_209, %mul3A_210 : i32
      %add3A_212 = arith.constant 1 : i32
      %add3A_213 = arith.addi %add3A_212, %mul3A_211 : i32
      %add3A_214 = arith.constant 0 : i32
      %add3A_215 = arith.addi %add3A_213, %add3A_214 : i32
      %sub3A = arith.constant 1 : i32
      %sub3A_216 = arith.subi %add3A_215, %sub3A : i32
      %mul3A_217 = arith.constant 16 : i32
      %mul3A_218 = arith.muli %sub3A_216, %mul3A_217 : i32
      %add3A_219 = arith.addi %mul3A_2, %mul3A_218 : i32
      %dma_wait3A_220 = arith.constant 0 : i32
      %dma_wait3A_221 = arith.constant 0 : i32
      %dma_wait3A_222 = arith.constant 0 : i32
      %dma_wait3A_223 = tpu.memref_slice %arg6[%dma_wait3A_220, %dma_wait3A_221, %dma_wait3A_222] : memref<4x16x1024xf32, #tpu.memory_space<vmem>> -> memref<1x16x1024xf32, #tpu.memory_space<vmem>>
      %dma_wait3A_224 = tpu.memref_squeeze %dma_wait3A_223 : memref<1x16x1024xf32, #tpu.memory_space<vmem>> -> memref<16x1024xf32, #tpu.memory_space<vmem>>
      %dma_wait3A_225 = arith.constant 0 : i32
      %dma_wait3A_226 = tpu.memref_slice %arg4[%add3A_219, %dma_wait3A_225] : memref<32768x1024xf32, #tpu.memory_space<hbm>> -> memref<16x1024xf32, #tpu.memory_space<hbm>>
      %dma_wait3A_227 = arith.constant 0 : i32
      %dma_wait3A_228 = tpu.memref_slice %arg4[%add3A_219, %dma_wait3A_227] : memref<32768x1024xf32, #tpu.memory_space<hbm>> -> memref<16x1024xf32, #tpu.memory_space<hbm>>
      %dma_wait3A_229 = arith.constant 0 : i32
      %dma_wait3A_230 = arith.constant 0 : i32
      %dma_wait3A_231 = tpu.memref_slice %arg6[%dma_wait3A_220, %dma_wait3A_229, %dma_wait3A_230] : memref<4x16x1024xf32, #tpu.memory_space<vmem>> -> memref<1x16x1024xf32, #tpu.memory_space<vmem>>
      %dma_wait3A_232 = tpu.memref_squeeze %dma_wait3A_231 : memref<1x16x1024xf32, #tpu.memory_space<vmem>> -> memref<16x1024xf32, #tpu.memory_space<vmem>>
      tpu.wait_dma2 semaphore(%arg11 : memref<!tpu.dma_semaphore, #tpu.memory_space<semaphore_mem>>) src(%dma_wait3A_232 : memref<16x1024xf32, #tpu.memory_space<vmem>>) dst(%dma_wait3A_228 : memref<16x1024xf32, #tpu.memory_space<hbm>>)
      %add3A_233 = arith.constant 4 : i32
      %add3A_234 = arith.addi %add3A_215, %add3A_233 : i32
      %sub3A_235 = arith.constant 1 : i32
      %sub3A_236 = arith.subi %add3A_234, %sub3A_235 : i32
      %mul3A_237 = arith.constant 16 : i32
      %mul3A_238 = arith.muli %sub3A_236, %mul3A_237 : i32
      %dma_start3A_239 = arith.constant 0 : i32
      %dma_start3A_240 = arith.constant 0 : i32
      %dma_start3A_241 = arith.constant 0 : i32
      %dma_start3A_242 = tpu.memref_slice %arg6[%dma_start3A_239, %dma_start3A_240, %dma_start3A_241] : memref<4x16x1024xf32, #tpu.memory_space<vmem>> -> memref<1x16x1024xf32, #tpu.memory_space<vmem>>
      %dma_start3A_243 = tpu.memref_squeeze %dma_start3A_242 : memref<1x16x1024xf32, #tpu.memory_space<vmem>> -> memref<16x1024xf32, #tpu.memory_space<vmem>>
      %dma_start3A_244 = tpu.memref_slice %arg5[%mul3A_238] : memref<1024xi32, #tpu.memory_space<vmem>> -> memref<16xi32, #tpu.memory_space<vmem>>
      %dma_start3A_245 = arith.constant 0 : i32
      %dma_start3A_246 = arith.constant 0 : i32
      %dma_start3A_247 = tpu.memref_slice %arg2[%dma_start3A_245, %dma_start3A_246] : memref<8192x1024xf32, #tpu.memory_space<hbm>> -> memref<8192x1024xf32, #tpu.memory_space<hbm>>
      tpu.enqueue_indirect_dma source(%dma_start3A_247 : memref<8192x1024xf32, #tpu.memory_space<hbm>>) target(%dma_start3A_243 : memref<16x1024xf32, #tpu.memory_space<vmem>>) offsets(%dma_start3A_244 : memref<16xi32, #tpu.memory_space<vmem>>) semaphore(%arg7 : memref<!tpu.dma_semaphore, #tpu.memory_space<semaphore_mem>>)
      %mul3A_248 = arith.constant 16 : i32
      %mul3A_249 = arith.muli %add3A_215, %mul3A_248 : i32
      %dma_wait3A_250 = arith.constant 1 : i32
      %dma_wait3A_251 = arith.constant 0 : i32
      %dma_wait3A_252 = arith.constant 0 : i32
      %dma_wait3A_253 = tpu.memref_slice %arg6[%dma_wait3A_250, %dma_wait3A_251, %dma_wait3A_252] : memref<4x16x1024xf32, #tpu.memory_space<vmem>> -> memref<1x16x1024xf32, #tpu.memory_space<vmem>>
      %dma_wait3A_254 = tpu.memref_squeeze %dma_wait3A_253 : memref<1x16x1024xf32, #tpu.memory_space<vmem>> -> memref<16x1024xf32, #tpu.memory_space<vmem>>
      %dma_wait3A_255 = tpu.memref_slice %arg5[%mul3A_249] : memref<1024xi32, #tpu.memory_space<vmem>> -> memref<16xi32, #tpu.memory_space<vmem>>
      %dma_wait3A_256 = arith.constant 0 : i32
      %dma_wait3A_257 = arith.constant 0 : i32
      %dma_wait3A_258 = tpu.memref_slice %arg2[%dma_wait3A_256, %dma_wait3A_257] : memref<8192x1024xf32, #tpu.memory_space<hbm>> -> memref<8192x1024xf32, #tpu.memory_space<hbm>>
      tpu.wait_indirect_dma semaphore(%arg8 : memref<!tpu.dma_semaphore, #tpu.memory_space<semaphore_mem>>) src(%dma_wait3A_258 : memref<8192x1024xf32, #tpu.memory_space<hbm>>) dst(%dma_wait3A_254 : memref<16x1024xf32, #tpu.memory_space<vmem>>)
      %mul3A_259 = arith.constant 16 : i32
      %mul3A_260 = arith.muli %add3A_215, %mul3A_259 : i32
      %add3A_261 = arith.addi %mul3A_2, %mul3A_260 : i32
      %dma_start3A_262 = arith.constant 1 : i32
      %dma_start3A_263 = arith.constant 0 : i32
      %dma_start3A_264 = arith.constant 0 : i32
      %dma_start3A_265 = tpu.memref_slice %arg6[%dma_start3A_262, %dma_start3A_263, %dma_start3A_264] : memref<4x16x1024xf32, #tpu.memory_space<vmem>> -> memref<1x16x1024xf32, #tpu.memory_space<vmem>>
      %dma_start3A_266 = tpu.memref_squeeze %dma_start3A_265 : memref<1x16x1024xf32, #tpu.memory_space<vmem>> -> memref<16x1024xf32, #tpu.memory_space<vmem>>
      %dma_start3A_267 = arith.constant 0 : i32
      %dma_start3A_268 = tpu.memref_slice %arg4[%add3A_261, %dma_start3A_267] : memref<32768x1024xf32, #tpu.memory_space<hbm>> -> memref<16x1024xf32, #tpu.memory_space<hbm>>
      %dma_start3A_269 = arith.constant 0 : i32
      %dma_start3A_270 = tpu.memref_slice %arg4[%add3A_261, %dma_start3A_269] : memref<32768x1024xf32, #tpu.memory_space<hbm>> -> memref<16x1024xf32, #tpu.memory_space<hbm>>
      %dma_start3A_271 = arith.constant 0 : i32
      %dma_start3A_272 = arith.constant 0 : i32
      %dma_start3A_273 = tpu.memref_slice %arg6[%dma_start3A_262, %dma_start3A_271, %dma_start3A_272] : memref<4x16x1024xf32, #tpu.memory_space<vmem>> -> memref<1x16x1024xf32, #tpu.memory_space<vmem>>
      %dma_start3A_274 = tpu.memref_squeeze %dma_start3A_273 : memref<1x16x1024xf32, #tpu.memory_space<vmem>> -> memref<16x1024xf32, #tpu.memory_space<vmem>>
      tpu.enqueue_dma source(%dma_start3A_274 : memref<16x1024xf32, #tpu.memory_space<vmem>>) target(%dma_start3A_270 : memref<16x1024xf32, #tpu.memory_space<hbm>>) target_semaphore(%arg12 : memref<!tpu.dma_semaphore, #tpu.memory_space<semaphore_mem>>)
      %add3A_275 = arith.constant 1 : i32
      %add3A_276 = arith.addi %add3A_213, %add3A_275 : i32
      %sub3A_277 = arith.constant 1 : i32
      %sub3A_278 = arith.subi %add3A_276, %sub3A_277 : i32
      %mul3A_279 = arith.constant 16 : i32
      %mul3A_280 = arith.muli %sub3A_278, %mul3A_279 : i32
      %add3A_281 = arith.addi %mul3A_2, %mul3A_280 : i32
      %dma_wait3A_282 = arith.constant 1 : i32
      %dma_wait3A_283 = arith.constant 0 : i32
      %dma_wait3A_284 = arith.constant 0 : i32
      %dma_wait3A_285 = tpu.memref_slice %arg6[%dma_wait3A_282, %dma_wait3A_283, %dma_wait3A_284] : memref<4x16x1024xf32, #tpu.memory_space<vmem>> -> memref<1x16x1024xf32, #tpu.memory_space<vmem>>
      %dma_wait3A_286 = tpu.memref_squeeze %dma_wait3A_285 : memref<1x16x1024xf32, #tpu.memory_space<vmem>> -> memref<16x1024xf32, #tpu.memory_space<vmem>>
      %dma_wait3A_287 = arith.constant 0 : i32
      %dma_wait3A_288 = tpu.memref_slice %arg4[%add3A_281, %dma_wait3A_287] : memref<32768x1024xf32, #tpu.memory_space<hbm>> -> memref<16x1024xf32, #tpu.memory_space<hbm>>
      %dma_wait3A_289 = arith.constant 0 : i32
      %dma_wait3A_290 = tpu.memref_slice %arg4[%add3A_281, %dma_wait3A_289] : memref<32768x1024xf32, #tpu.memory_space<hbm>> -> memref<16x1024xf32, #tpu.memory_space<hbm>>
      %dma_wait3A_291 = arith.constant 0 : i32
      %dma_wait3A_292 = arith.constant 0 : i32
      %dma_wait3A_293 = tpu.memref_slice %arg6[%dma_wait3A_282, %dma_wait3A_291, %dma_wait3A_292] : memref<4x16x1024xf32, #tpu.memory_space<vmem>> -> memref<1x16x1024xf32, #tpu.memory_space<vmem>>
      %dma_wait3A_294 = tpu.memref_squeeze %dma_wait3A_293 : memref<1x16x1024xf32, #tpu.memory_space<vmem>> -> memref<16x1024xf32, #tpu.memory_space<vmem>>
      tpu.wait_dma2 semaphore(%arg12 : memref<!tpu.dma_semaphore, #tpu.memory_space<semaphore_mem>>) src(%dma_wait3A_294 : memref<16x1024xf32, #tpu.memory_space<vmem>>) dst(%dma_wait3A_290 : memref<16x1024xf32, #tpu.memory_space<hbm>>)
      %add3A_295 = arith.constant 4 : i32
      %add3A_296 = arith.addi %add3A_276, %add3A_295 : i32
      %sub3A_297 = arith.constant 1 : i32
      %sub3A_298 = arith.subi %add3A_296, %sub3A_297 : i32
      %mul3A_299 = arith.constant 16 : i32
      %mul3A_300 = arith.muli %sub3A_298, %mul3A_299 : i32
      %dma_start3A_301 = arith.constant 1 : i32
      %dma_start3A_302 = arith.constant 0 : i32
      %dma_start3A_303 = arith.constant 0 : i32
      %dma_start3A_304 = tpu.memref_slice %arg6[%dma_start3A_301, %dma_start3A_302, %dma_start3A_303] : memref<4x16x1024xf32, #tpu.memory_space<vmem>> -> memref<1x16x1024xf32, #tpu.memory_space<vmem>>
      %dma_start3A_305 = tpu.memref_squeeze %dma_start3A_304 : memref<1x16x1024xf32, #tpu.memory_space<vmem>> -> memref<16x1024xf32, #tpu.memory_space<vmem>>
      %dma_start3A_306 = tpu.memref_slice %arg5[%mul3A_300] : memref<1024xi32, #tpu.memory_space<vmem>> -> memref<16xi32, #tpu.memory_space<vmem>>
      %dma_start3A_307 = arith.constant 0 : i32
      %dma_start3A_308 = arith.constant 0 : i32
      %dma_start3A_309 = tpu.memref_slice %arg2[%dma_start3A_307, %dma_start3A_308] : memref<8192x1024xf32, #tpu.memory_space<hbm>> -> memref<8192x1024xf32, #tpu.memory_space<hbm>>
      tpu.enqueue_indirect_dma source(%dma_start3A_309 : memref<8192x1024xf32, #tpu.memory_space<hbm>>) target(%dma_start3A_305 : memref<16x1024xf32, #tpu.memory_space<vmem>>) offsets(%dma_start3A_306 : memref<16xi32, #tpu.memory_space<vmem>>) semaphore(%arg8 : memref<!tpu.dma_semaphore, #tpu.memory_space<semaphore_mem>>)
      %mul3A_310 = arith.constant 16 : i32
      %mul3A_311 = arith.muli %add3A_276, %mul3A_310 : i32
      %dma_wait3A_312 = arith.constant 2 : i32
      %dma_wait3A_313 = arith.constant 0 : i32
      %dma_wait3A_314 = arith.constant 0 : i32
      %dma_wait3A_315 = tpu.memref_slice %arg6[%dma_wait3A_312, %dma_wait3A_313, %dma_wait3A_314] : memref<4x16x1024xf32, #tpu.memory_space<vmem>> -> memref<1x16x1024xf32, #tpu.memory_space<vmem>>
      %dma_wait3A_316 = tpu.memref_squeeze %dma_wait3A_315 : memref<1x16x1024xf32, #tpu.memory_space<vmem>> -> memref<16x1024xf32, #tpu.memory_space<vmem>>
      %dma_wait3A_317 = tpu.memref_slice %arg5[%mul3A_311] : memref<1024xi32, #tpu.memory_space<vmem>> -> memref<16xi32, #tpu.memory_space<vmem>>
      %dma_wait3A_318 = arith.constant 0 : i32
      %dma_wait3A_319 = arith.constant 0 : i32
      %dma_wait3A_320 = tpu.memref_slice %arg2[%dma_wait3A_318, %dma_wait3A_319] : memref<8192x1024xf32, #tpu.memory_space<hbm>> -> memref<8192x1024xf32, #tpu.memory_space<hbm>>
      tpu.wait_indirect_dma semaphore(%arg9 : memref<!tpu.dma_semaphore, #tpu.memory_space<semaphore_mem>>) src(%dma_wait3A_320 : memref<8192x1024xf32, #tpu.memory_space<hbm>>) dst(%dma_wait3A_316 : memref<16x1024xf32, #tpu.memory_space<vmem>>)
      %mul3A_321 = arith.constant 16 : i32
      %mul3A_322 = arith.muli %add3A_276, %mul3A_321 : i32
      %add3A_323 = arith.addi %mul3A_2, %mul3A_322 : i32
      %dma_start3A_324 = arith.constant 2 : i32
      %dma_start3A_325 = arith.constant 0 : i32
      %dma_start3A_326 = arith.constant 0 : i32
      %dma_start3A_327 = tpu.memref_slice %arg6[%dma_start3A_324, %dma_start3A_325, %dma_start3A_326] : memref<4x16x1024xf32, #tpu.memory_space<vmem>> -> memref<1x16x1024xf32, #tpu.memory_space<vmem>>
      %dma_start3A_328 = tpu.memref_squeeze %dma_start3A_327 : memref<1x16x1024xf32, #tpu.memory_space<vmem>> -> memref<16x1024xf32, #tpu.memory_space<vmem>>
      %dma_start3A_329 = arith.constant 0 : i32
      %dma_start3A_330 = tpu.memref_slice %arg4[%add3A_323, %dma_start3A_329] : memref<32768x1024xf32, #tpu.memory_space<hbm>> -> memref<16x1024xf32, #tpu.memory_space<hbm>>
      %dma_start3A_331 = arith.constant 0 : i32
      %dma_start3A_332 = tpu.memref_slice %arg4[%add3A_323, %dma_start3A_331] : memref<32768x1024xf32, #tpu.memory_space<hbm>> -> memref<16x1024xf32, #tpu.memory_space<hbm>>
      %dma_start3A_333 = arith.constant 0 : i32
      %dma_start3A_334 = arith.constant 0 : i32
      %dma_start3A_335 = tpu.memref_slice %arg6[%dma_start3A_324, %dma_start3A_333, %dma_start3A_334] : memref<4x16x1024xf32, #tpu.memory_space<vmem>> -> memref<1x16x1024xf32, #tpu.memory_space<vmem>>
      %dma_start3A_336 = tpu.memref_squeeze %dma_start3A_335 : memref<1x16x1024xf32, #tpu.memory_space<vmem>> -> memref<16x1024xf32, #tpu.memory_space<vmem>>
      tpu.enqueue_dma source(%dma_start3A_336 : memref<16x1024xf32, #tpu.memory_space<vmem>>) target(%dma_start3A_332 : memref<16x1024xf32, #tpu.memory_space<hbm>>) target_semaphore(%arg13 : memref<!tpu.dma_semaphore, #tpu.memory_space<semaphore_mem>>)
      %add3A_337 = arith.constant 2 : i32
      %add3A_338 = arith.addi %add3A_213, %add3A_337 : i32
      %sub3A_339 = arith.constant 1 : i32
      %sub3A_340 = arith.subi %add3A_338, %sub3A_339 : i32
      %mul3A_341 = arith.constant 16 : i32
      %mul3A_342 = arith.muli %sub3A_340, %mul3A_341 : i32
      %add3A_343 = arith.addi %mul3A_2, %mul3A_342 : i32
      %dma_wait3A_344 = arith.constant 2 : i32
      %dma_wait3A_345 = arith.constant 0 : i32
      %dma_wait3A_346 = arith.constant 0 : i32
      %dma_wait3A_347 = tpu.memref_slice %arg6[%dma_wait3A_344, %dma_wait3A_345, %dma_wait3A_346] : memref<4x16x1024xf32, #tpu.memory_space<vmem>> -> memref<1x16x1024xf32, #tpu.memory_space<vmem>>
      %dma_wait3A_348 = tpu.memref_squeeze %dma_wait3A_347 : memref<1x16x1024xf32, #tpu.memory_space<vmem>> -> memref<16x1024xf32, #tpu.memory_space<vmem>>
      %dma_wait3A_349 = arith.constant 0 : i32
      %dma_wait3A_350 = tpu.memref_slice %arg4[%add3A_343, %dma_wait3A_349] : memref<32768x1024xf32, #tpu.memory_space<hbm>> -> memref<16x1024xf32, #tpu.memory_space<hbm>>
      %dma_wait3A_351 = arith.constant 0 : i32
      %dma_wait3A_352 = tpu.memref_slice %arg4[%add3A_343, %dma_wait3A_351] : memref<32768x1024xf32, #tpu.memory_space<hbm>> -> memref<16x1024xf32, #tpu.memory_space<hbm>>
      %dma_wait3A_353 = arith.constant 0 : i32
      %dma_wait3A_354 = arith.constant 0 : i32
      %dma_wait3A_355 = tpu.memref_slice %arg6[%dma_wait3A_344, %dma_wait3A_353, %dma_wait3A_354] : memref<4x16x1024xf32, #tpu.memory_space<vmem>> -> memref<1x16x1024xf32, #tpu.memory_space<vmem>>
      %dma_wait3A_356 = tpu.memref_squeeze %dma_wait3A_355 : memref<1x16x1024xf32, #tpu.memory_space<vmem>> -> memref<16x1024xf32, #tpu.memory_space<vmem>>
      tpu.wait_dma2 semaphore(%arg13 : memref<!tpu.dma_semaphore, #tpu.memory_space<semaphore_mem>>) src(%dma_wait3A_356 : memref<16x1024xf32, #tpu.memory_space<vmem>>) dst(%dma_wait3A_352 : memref<16x1024xf32, #tpu.memory_space<hbm>>)
      %add3A_357 = arith.constant 4 : i32
      %add3A_358 = arith.addi %add3A_338, %add3A_357 : i32
      %sub3A_359 = arith.constant 1 : i32
      %sub3A_360 = arith.subi %add3A_358, %sub3A_359 : i32
      %mul3A_361 = arith.constant 16 : i32
      %mul3A_362 = arith.muli %sub3A_360, %mul3A_361 : i32
      %dma_start3A_363 = arith.constant 2 : i32
      %dma_start3A_364 = arith.constant 0 : i32
      %dma_start3A_365 = arith.constant 0 : i32
      %dma_start3A_366 = tpu.memref_slice %arg6[%dma_start3A_363, %dma_start3A_364, %dma_start3A_365] : memref<4x16x1024xf32, #tpu.memory_space<vmem>> -> memref<1x16x1024xf32, #tpu.memory_space<vmem>>
      %dma_start3A_367 = tpu.memref_squeeze %dma_start3A_366 : memref<1x16x1024xf32, #tpu.memory_space<vmem>> -> memref<16x1024xf32, #tpu.memory_space<vmem>>
      %dma_start3A_368 = tpu.memref_slice %arg5[%mul3A_362] : memref<1024xi32, #tpu.memory_space<vmem>> -> memref<16xi32, #tpu.memory_space<vmem>>
      %dma_start3A_369 = arith.constant 0 : i32
      %dma_start3A_370 = arith.constant 0 : i32
      %dma_start3A_371 = tpu.memref_slice %arg2[%dma_start3A_369, %dma_start3A_370] : memref<8192x1024xf32, #tpu.memory_space<hbm>> -> memref<8192x1024xf32, #tpu.memory_space<hbm>>
      tpu.enqueue_indirect_dma source(%dma_start3A_371 : memref<8192x1024xf32, #tpu.memory_space<hbm>>) target(%dma_start3A_367 : memref<16x1024xf32, #tpu.memory_space<vmem>>) offsets(%dma_start3A_368 : memref<16xi32, #tpu.memory_space<vmem>>) semaphore(%arg9 : memref<!tpu.dma_semaphore, #tpu.memory_space<semaphore_mem>>)
      %mul3A_372 = arith.constant 16 : i32
      %mul3A_373 = arith.muli %add3A_338, %mul3A_372 : i32
      %dma_wait3A_374 = arith.constant 3 : i32
      %dma_wait3A_375 = arith.constant 0 : i32
      %dma_wait3A_376 = arith.constant 0 : i32
      %dma_wait3A_377 = tpu.memref_slice %arg6[%dma_wait3A_374, %dma_wait3A_375, %dma_wait3A_376] : memref<4x16x1024xf32, #tpu.memory_space<vmem>> -> memref<1x16x1024xf32, #tpu.memory_space<vmem>>
      %dma_wait3A_378 = tpu.memref_squeeze %dma_wait3A_377 : memref<1x16x1024xf32, #tpu.memory_space<vmem>> -> memref<16x1024xf32, #tpu.memory_space<vmem>>
      %dma_wait3A_379 = tpu.memref_slice %arg5[%mul3A_373] : memref<1024xi32, #tpu.memory_space<vmem>> -> memref<16xi32, #tpu.memory_space<vmem>>
      %dma_wait3A_380 = arith.constant 0 : i32
      %dma_wait3A_381 = arith.constant 0 : i32
      %dma_wait3A_382 = tpu.memref_slice %arg2[%dma_wait3A_380, %dma_wait3A_381] : memref<8192x1024xf32, #tpu.memory_space<hbm>> -> memref<8192x1024xf32, #tpu.memory_space<hbm>>
      tpu.wait_indirect_dma semaphore(%arg10 : memref<!tpu.dma_semaphore, #tpu.memory_space<semaphore_mem>>) src(%dma_wait3A_382 : memref<8192x1024xf32, #tpu.memory_space<hbm>>) dst(%dma_wait3A_378 : memref<16x1024xf32, #tpu.memory_space<vmem>>)
      %mul3A_383 = arith.constant 16 : i32
      %mul3A_384 = arith.muli %add3A_338, %mul3A_383 : i32
      %add3A_385 = arith.addi %mul3A_2, %mul3A_384 : i32
      %dma_start3A_386 = arith.constant 3 : i32
      %dma_start3A_387 = arith.constant 0 : i32
      %dma_start3A_388 = arith.constant 0 : i32
      %dma_start3A_389 = tpu.memref_slice %arg6[%dma_start3A_386, %dma_start3A_387, %dma_start3A_388] : memref<4x16x1024xf32, #tpu.memory_space<vmem>> -> memref<1x16x1024xf32, #tpu.memory_space<vmem>>
      %dma_start3A_390 = tpu.memref_squeeze %dma_start3A_389 : memref<1x16x1024xf32, #tpu.memory_space<vmem>> -> memref<16x1024xf32, #tpu.memory_space<vmem>>
      %dma_start3A_391 = arith.constant 0 : i32
      %dma_start3A_392 = tpu.memref_slice %arg4[%add3A_385, %dma_start3A_391] : memref<32768x1024xf32, #tpu.memory_space<hbm>> -> memref<16x1024xf32, #tpu.memory_space<hbm>>
      %dma_start3A_393 = arith.constant 0 : i32
      %dma_start3A_394 = tpu.memref_slice %arg4[%add3A_385, %dma_start3A_393] : memref<32768x1024xf32, #tpu.memory_space<hbm>> -> memref<16x1024xf32, #tpu.memory_space<hbm>>
      %dma_start3A_395 = arith.constant 0 : i32
      %dma_start3A_396 = arith.constant 0 : i32
      %dma_start3A_397 = tpu.memref_slice %arg6[%dma_start3A_386, %dma_start3A_395, %dma_start3A_396] : memref<4x16x1024xf32, #tpu.memory_space<vmem>> -> memref<1x16x1024xf32, #tpu.memory_space<vmem>>
      %dma_start3A_398 = tpu.memref_squeeze %dma_start3A_397 : memref<1x16x1024xf32, #tpu.memory_space<vmem>> -> memref<16x1024xf32, #tpu.memory_space<vmem>>
      tpu.enqueue_dma source(%dma_start3A_398 : memref<16x1024xf32, #tpu.memory_space<vmem>>) target(%dma_start3A_394 : memref<16x1024xf32, #tpu.memory_space<hbm>>) target_semaphore(%arg14 : memref<!tpu.dma_semaphore, #tpu.memory_space<semaphore_mem>>)
      %add3A_399 = arith.constant 3 : i32
      %add3A_400 = arith.addi %add3A_213, %add3A_399 : i32
      %sub3A_401 = arith.constant 1 : i32
      %sub3A_402 = arith.subi %add3A_400, %sub3A_401 : i32
      %mul3A_403 = arith.constant 16 : i32
      %mul3A_404 = arith.muli %sub3A_402, %mul3A_403 : i32
      %add3A_405 = arith.addi %mul3A_2, %mul3A_404 : i32
      %dma_wait3A_406 = arith.constant 3 : i32
      %dma_wait3A_407 = arith.constant 0 : i32
      %dma_wait3A_408 = arith.constant 0 : i32
      %dma_wait3A_409 = tpu.memref_slice %arg6[%dma_wait3A_406, %dma_wait3A_407, %dma_wait3A_408] : memref<4x16x1024xf32, #tpu.memory_space<vmem>> -> memref<1x16x1024xf32, #tpu.memory_space<vmem>>
      %dma_wait3A_410 = tpu.memref_squeeze %dma_wait3A_409 : memref<1x16x1024xf32, #tpu.memory_space<vmem>> -> memref<16x1024xf32, #tpu.memory_space<vmem>>
      %dma_wait3A_411 = arith.constant 0 : i32
      %dma_wait3A_412 = tpu.memref_slice %arg4[%add3A_405, %dma_wait3A_411] : memref<32768x1024xf32, #tpu.memory_space<hbm>> -> memref<16x1024xf32, #tpu.memory_space<hbm>>
      %dma_wait3A_413 = arith.constant 0 : i32
      %dma_wait3A_414 = tpu.memref_slice %arg4[%add3A_405, %dma_wait3A_413] : memref<32768x1024xf32, #tpu.memory_space<hbm>> -> memref<16x1024xf32, #tpu.memory_space<hbm>>
      %dma_wait3A_415 = arith.constant 0 : i32
      %dma_wait3A_416 = arith.constant 0 : i32
      %dma_wait3A_417 = tpu.memref_slice %arg6[%dma_wait3A_406, %dma_wait3A_415, %dma_wait3A_416] : memref<4x16x1024xf32, #tpu.memory_space<vmem>> -> memref<1x16x1024xf32, #tpu.memory_space<vmem>>
      %dma_wait3A_418 = tpu.memref_squeeze %dma_wait3A_417 : memref<1x16x1024xf32, #tpu.memory_space<vmem>> -> memref<16x1024xf32, #tpu.memory_space<vmem>>
      tpu.wait_dma2 semaphore(%arg14 : memref<!tpu.dma_semaphore, #tpu.memory_space<semaphore_mem>>) src(%dma_wait3A_418 : memref<16x1024xf32, #tpu.memory_space<vmem>>) dst(%dma_wait3A_414 : memref<16x1024xf32, #tpu.memory_space<hbm>>)
      %add3A_419 = arith.constant 4 : i32
      %add3A_420 = arith.addi %add3A_400, %add3A_419 : i32
      %sub3A_421 = arith.constant 1 : i32
      %sub3A_422 = arith.subi %add3A_420, %sub3A_421 : i32
      %mul3A_423 = arith.constant 16 : i32
      %mul3A_424 = arith.muli %sub3A_422, %mul3A_423 : i32
      %dma_start3A_425 = arith.constant 3 : i32
      %dma_start3A_426 = arith.constant 0 : i32
      %dma_start3A_427 = arith.constant 0 : i32
      %dma_start3A_428 = tpu.memref_slice %arg6[%dma_start3A_425, %dma_start3A_426, %dma_start3A_427] : memref<4x16x1024xf32, #tpu.memory_space<vmem>> -> memref<1x16x1024xf32, #tpu.memory_space<vmem>>
      %dma_start3A_429 = tpu.memref_squeeze %dma_start3A_428 : memref<1x16x1024xf32, #tpu.memory_space<vmem>> -> memref<16x1024xf32, #tpu.memory_space<vmem>>
      %dma_start3A_430 = tpu.memref_slice %arg5[%mul3A_424] : memref<1024xi32, #tpu.memory_space<vmem>> -> memref<16xi32, #tpu.memory_space<vmem>>
      %dma_start3A_431 = arith.constant 0 : i32
      %dma_start3A_432 = arith.constant 0 : i32
      %dma_start3A_433 = tpu.memref_slice %arg2[%dma_start3A_431, %dma_start3A_432] : memref<8192x1024xf32, #tpu.memory_space<hbm>> -> memref<8192x1024xf32, #tpu.memory_space<hbm>>
      tpu.enqueue_indirect_dma source(%dma_start3A_433 : memref<8192x1024xf32, #tpu.memory_space<hbm>>) target(%dma_start3A_429 : memref<16x1024xf32, #tpu.memory_space<vmem>>) offsets(%dma_start3A_430 : memref<16xi32, #tpu.memory_space<vmem>>) semaphore(%arg10 : memref<!tpu.dma_semaphore, #tpu.memory_space<semaphore_mem>>)
      %mul3A_434 = arith.constant 16 : i32
      %mul3A_435 = arith.muli %add3A_400, %mul3A_434 : i32
      %dma_wait3A_436 = arith.constant 0 : i32
      %dma_wait3A_437 = arith.constant 0 : i32
      %dma_wait3A_438 = arith.constant 0 : i32
      %dma_wait3A_439 = tpu.memref_slice %arg6[%dma_wait3A_436, %dma_wait3A_437, %dma_wait3A_438] : memref<4x16x1024xf32, #tpu.memory_space<vmem>> -> memref<1x16x1024xf32, #tpu.memory_space<vmem>>
      %dma_wait3A_440 = tpu.memref_squeeze %dma_wait3A_439 : memref<1x16x1024xf32, #tpu.memory_space<vmem>> -> memref<16x1024xf32, #tpu.memory_space<vmem>>
      %dma_wait3A_441 = tpu.memref_slice %arg5[%mul3A_435] : memref<1024xi32, #tpu.memory_space<vmem>> -> memref<16xi32, #tpu.memory_space<vmem>>
      %dma_wait3A_442 = arith.constant 0 : i32
      %dma_wait3A_443 = arith.constant 0 : i32
      %dma_wait3A_444 = tpu.memref_slice %arg2[%dma_wait3A_442, %dma_wait3A_443] : memref<8192x1024xf32, #tpu.memory_space<hbm>> -> memref<8192x1024xf32, #tpu.memory_space<hbm>>
      tpu.wait_indirect_dma semaphore(%arg7 : memref<!tpu.dma_semaphore, #tpu.memory_space<semaphore_mem>>) src(%dma_wait3A_444 : memref<8192x1024xf32, #tpu.memory_space<hbm>>) dst(%dma_wait3A_440 : memref<16x1024xf32, #tpu.memory_space<vmem>>)
      %mul3A_445 = arith.constant 16 : i32
      %mul3A_446 = arith.muli %add3A_400, %mul3A_445 : i32
      %add3A_447 = arith.addi %mul3A_2, %mul3A_446 : i32
      %dma_start3A_448 = arith.constant 0 : i32
      %dma_start3A_449 = arith.constant 0 : i32
      %dma_start3A_450 = arith.constant 0 : i32
      %dma_start3A_451 = tpu.memref_slice %arg6[%dma_start3A_448, %dma_start3A_449, %dma_start3A_450] : memref<4x16x1024xf32, #tpu.memory_space<vmem>> -> memref<1x16x1024xf32, #tpu.memory_space<vmem>>
      %dma_start3A_452 = tpu.memref_squeeze %dma_start3A_451 : memref<1x16x1024xf32, #tpu.memory_space<vmem>> -> memref<16x1024xf32, #tpu.memory_space<vmem>>
      %dma_start3A_453 = arith.constant 0 : i32
      %dma_start3A_454 = tpu.memref_slice %arg4[%add3A_447, %dma_start3A_453] : memref<32768x1024xf32, #tpu.memory_space<hbm>> -> memref<16x1024xf32, #tpu.memory_space<hbm>>
      %dma_start3A_455 = arith.constant 0 : i32
      %dma_start3A_456 = tpu.memref_slice %arg4[%add3A_447, %dma_start3A_455] : memref<32768x1024xf32, #tpu.memory_space<hbm>> -> memref<16x1024xf32, #tpu.memory_space<hbm>>
      %dma_start3A_457 = arith.constant 0 : i32
      %dma_start3A_458 = arith.constant 0 : i32
      %dma_start3A_459 = tpu.memref_slice %arg6[%dma_start3A_448, %dma_start3A_457, %dma_start3A_458] : memref<4x16x1024xf32, #tpu.memory_space<vmem>> -> memref<1x16x1024xf32, #tpu.memory_space<vmem>>
      %dma_start3A_460 = tpu.memref_squeeze %dma_start3A_459 : memref<1x16x1024xf32, #tpu.memory_space<vmem>> -> memref<16x1024xf32, #tpu.memory_space<vmem>>
      tpu.enqueue_dma source(%dma_start3A_460 : memref<16x1024xf32, #tpu.memory_space<vmem>>) target(%dma_start3A_456 : memref<16x1024xf32, #tpu.memory_space<hbm>>) target_semaphore(%arg11 : memref<!tpu.dma_semaphore, #tpu.memory_space<semaphore_mem>>)
    }
    %scan3A_69 = arith.constant 15 : i32
    %dma_wait3A_70 = arith.constant 1 : i32
    %dma_wait3A_71 = arith.constant 0 : i32
    %dma_wait3A_72 = arith.constant 0 : i32
    %dma_wait3A_73 = tpu.memref_slice %arg6[%dma_wait3A_70, %dma_wait3A_71, %dma_wait3A_72] : memref<4x16x1024xf32, #tpu.memory_space<vmem>> -> memref<1x16x1024xf32, #tpu.memory_space<vmem>>
    %dma_wait3A_74 = tpu.memref_squeeze %dma_wait3A_73 : memref<1x16x1024xf32, #tpu.memory_space<vmem>> -> memref<16x1024xf32, #tpu.memory_space<vmem>>
    %dma_wait3A_75 = arith.constant 976 : i32
    %dma_wait3A_76 = tpu.memref_slice %arg5[%dma_wait3A_75] : memref<1024xi32, #tpu.memory_space<vmem>> -> memref<16xi32, #tpu.memory_space<vmem>>
    %dma_wait3A_77 = arith.constant 0 : i32
    %dma_wait3A_78 = arith.constant 0 : i32
    %dma_wait3A_79 = tpu.memref_slice %arg2[%dma_wait3A_77, %dma_wait3A_78] : memref<8192x1024xf32, #tpu.memory_space<hbm>> -> memref<8192x1024xf32, #tpu.memory_space<hbm>>
    tpu.wait_indirect_dma semaphore(%arg8 : memref<!tpu.dma_semaphore, #tpu.memory_space<semaphore_mem>>) src(%dma_wait3A_79 : memref<8192x1024xf32, #tpu.memory_space<hbm>>) dst(%dma_wait3A_74 : memref<16x1024xf32, #tpu.memory_space<vmem>>)
    %add3A_80 = arith.constant 976 : i32
    %add3A_81 = arith.addi %mul3A_2, %add3A_80 : i32
    %dma_start3A_82 = arith.constant 1 : i32
    %dma_start3A_83 = arith.constant 0 : i32
    %dma_start3A_84 = arith.constant 0 : i32
    %dma_start3A_85 = tpu.memref_slice %arg6[%dma_start3A_82, %dma_start3A_83, %dma_start3A_84] : memref<4x16x1024xf32, #tpu.memory_space<vmem>> -> memref<1x16x1024xf32, #tpu.memory_space<vmem>>
    %dma_start3A_86 = tpu.memref_squeeze %dma_start3A_85 : memref<1x16x1024xf32, #tpu.memory_space<vmem>> -> memref<16x1024xf32, #tpu.memory_space<vmem>>
    %dma_start3A_87 = arith.constant 0 : i32
    %dma_start3A_88 = tpu.memref_slice %arg4[%add3A_81, %dma_start3A_87] : memref<32768x1024xf32, #tpu.memory_space<hbm>> -> memref<16x1024xf32, #tpu.memory_space<hbm>>
    %dma_start3A_89 = arith.constant 0 : i32
    %dma_start3A_90 = tpu.memref_slice %arg4[%add3A_81, %dma_start3A_89] : memref<32768x1024xf32, #tpu.memory_space<hbm>> -> memref<16x1024xf32, #tpu.memory_space<hbm>>
    %dma_start3A_91 = arith.constant 0 : i32
    %dma_start3A_92 = arith.constant 0 : i32
    %dma_start3A_93 = tpu.memref_slice %arg6[%dma_start3A_82, %dma_start3A_91, %dma_start3A_92] : memref<4x16x1024xf32, #tpu.memory_space<vmem>> -> memref<1x16x1024xf32, #tpu.memory_space<vmem>>
    %dma_start3A_94 = tpu.memref_squeeze %dma_start3A_93 : memref<1x16x1024xf32, #tpu.memory_space<vmem>> -> memref<16x1024xf32, #tpu.memory_space<vmem>>
    tpu.enqueue_dma source(%dma_start3A_94 : memref<16x1024xf32, #tpu.memory_space<vmem>>) target(%dma_start3A_90 : memref<16x1024xf32, #tpu.memory_space<hbm>>) target_semaphore(%arg12 : memref<!tpu.dma_semaphore, #tpu.memory_space<semaphore_mem>>)
    %dma_wait3A_95 = arith.constant 2 : i32
    %dma_wait3A_96 = arith.constant 0 : i32
    %dma_wait3A_97 = arith.constant 0 : i32
    %dma_wait3A_98 = tpu.memref_slice %arg6[%dma_wait3A_95, %dma_wait3A_96, %dma_wait3A_97] : memref<4x16x1024xf32, #tpu.memory_space<vmem>> -> memref<1x16x1024xf32, #tpu.memory_space<vmem>>
    %dma_wait3A_99 = tpu.memref_squeeze %dma_wait3A_98 : memref<1x16x1024xf32, #tpu.memory_space<vmem>> -> memref<16x1024xf32, #tpu.memory_space<vmem>>
    %dma_wait3A_100 = arith.constant 992 : i32
    %dma_wait3A_101 = tpu.memref_slice %arg5[%dma_wait3A_100] : memref<1024xi32, #tpu.memory_space<vmem>> -> memref<16xi32, #tpu.memory_space<vmem>>
    %dma_wait3A_102 = arith.constant 0 : i32
    %dma_wait3A_103 = arith.constant 0 : i32
    %dma_wait3A_104 = tpu.memref_slice %arg2[%dma_wait3A_102, %dma_wait3A_103] : memref<8192x1024xf32, #tpu.memory_space<hbm>> -> memref<8192x1024xf32, #tpu.memory_space<hbm>>
    tpu.wait_indirect_dma semaphore(%arg9 : memref<!tpu.dma_semaphore, #tpu.memory_space<semaphore_mem>>) src(%dma_wait3A_104 : memref<8192x1024xf32, #tpu.memory_space<hbm>>) dst(%dma_wait3A_99 : memref<16x1024xf32, #tpu.memory_space<vmem>>)
    %add3A_105 = arith.constant 992 : i32
    %add3A_106 = arith.addi %mul3A_2, %add3A_105 : i32
    %dma_start3A_107 = arith.constant 2 : i32
    %dma_start3A_108 = arith.constant 0 : i32
    %dma_start3A_109 = arith.constant 0 : i32
    %dma_start3A_110 = tpu.memref_slice %arg6[%dma_start3A_107, %dma_start3A_108, %dma_start3A_109] : memref<4x16x1024xf32, #tpu.memory_space<vmem>> -> memref<1x16x1024xf32, #tpu.memory_space<vmem>>
    %dma_start3A_111 = tpu.memref_squeeze %dma_start3A_110 : memref<1x16x1024xf32, #tpu.memory_space<vmem>> -> memref<16x1024xf32, #tpu.memory_space<vmem>>
    %dma_start3A_112 = arith.constant 0 : i32
    %dma_start3A_113 = tpu.memref_slice %arg4[%add3A_106, %dma_start3A_112] : memref<32768x1024xf32, #tpu.memory_space<hbm>> -> memref<16x1024xf32, #tpu.memory_space<hbm>>
    %dma_start3A_114 = arith.constant 0 : i32
    %dma_start3A_115 = tpu.memref_slice %arg4[%add3A_106, %dma_start3A_114] : memref<32768x1024xf32, #tpu.memory_space<hbm>> -> memref<16x1024xf32, #tpu.memory_space<hbm>>
    %dma_start3A_116 = arith.constant 0 : i32
    %dma_start3A_117 = arith.constant 0 : i32
    %dma_start3A_118 = tpu.memref_slice %arg6[%dma_start3A_107, %dma_start3A_116, %dma_start3A_117] : memref<4x16x1024xf32, #tpu.memory_space<vmem>> -> memref<1x16x1024xf32, #tpu.memory_space<vmem>>
    %dma_start3A_119 = tpu.memref_squeeze %dma_start3A_118 : memref<1x16x1024xf32, #tpu.memory_space<vmem>> -> memref<16x1024xf32, #tpu.memory_space<vmem>>
    tpu.enqueue_dma source(%dma_start3A_119 : memref<16x1024xf32, #tpu.memory_space<vmem>>) target(%dma_start3A_115 : memref<16x1024xf32, #tpu.memory_space<hbm>>) target_semaphore(%arg13 : memref<!tpu.dma_semaphore, #tpu.memory_space<semaphore_mem>>)
    %dma_wait3A_120 = arith.constant 3 : i32
    %dma_wait3A_121 = arith.constant 0 : i32
    %dma_wait3A_122 = arith.constant 0 : i32
    %dma_wait3A_123 = tpu.memref_slice %arg6[%dma_wait3A_120, %dma_wait3A_121, %dma_wait3A_122] : memref<4x16x1024xf32, #tpu.memory_space<vmem>> -> memref<1x16x1024xf32, #tpu.memory_space<vmem>>
    %dma_wait3A_124 = tpu.memref_squeeze %dma_wait3A_123 : memref<1x16x1024xf32, #tpu.memory_space<vmem>> -> memref<16x1024xf32, #tpu.memory_space<vmem>>
    %dma_wait3A_125 = arith.constant 1008 : i32
    %dma_wait3A_126 = tpu.memref_slice %arg5[%dma_wait3A_125] : memref<1024xi32, #tpu.memory_space<vmem>> -> memref<16xi32, #tpu.memory_space<vmem>>
    %dma_wait3A_127 = arith.constant 0 : i32
    %dma_wait3A_128 = arith.constant 0 : i32
    %dma_wait3A_129 = tpu.memref_slice %arg2[%dma_wait3A_127, %dma_wait3A_128] : memref<8192x1024xf32, #tpu.memory_space<hbm>> -> memref<8192x1024xf32, #tpu.memory_space<hbm>>
    tpu.wait_indirect_dma semaphore(%arg10 : memref<!tpu.dma_semaphore, #tpu.memory_space<semaphore_mem>>) src(%dma_wait3A_129 : memref<8192x1024xf32, #tpu.memory_space<hbm>>) dst(%dma_wait3A_124 : memref<16x1024xf32, #tpu.memory_space<vmem>>)
    %add3A_130 = arith.constant 1008 : i32
    %add3A_131 = arith.addi %mul3A_2, %add3A_130 : i32
    %dma_start3A_132 = arith.constant 3 : i32
    %dma_start3A_133 = arith.constant 0 : i32
    %dma_start3A_134 = arith.constant 0 : i32
    %dma_start3A_135 = tpu.memref_slice %arg6[%dma_start3A_132, %dma_start3A_133, %dma_start3A_134] : memref<4x16x1024xf32, #tpu.memory_space<vmem>> -> memref<1x16x1024xf32, #tpu.memory_space<vmem>>
    %dma_start3A_136 = tpu.memref_squeeze %dma_start3A_135 : memref<1x16x1024xf32, #tpu.memory_space<vmem>> -> memref<16x1024xf32, #tpu.memory_space<vmem>>
    %dma_start3A_137 = arith.constant 0 : i32
    %dma_start3A_138 = tpu.memref_slice %arg4[%add3A_131, %dma_start3A_137] : memref<32768x1024xf32, #tpu.memory_space<hbm>> -> memref<16x1024xf32, #tpu.memory_space<hbm>>
    %dma_start3A_139 = arith.constant 0 : i32
    %dma_start3A_140 = tpu.memref_slice %arg4[%add3A_131, %dma_start3A_139] : memref<32768x1024xf32, #tpu.memory_space<hbm>> -> memref<16x1024xf32, #tpu.memory_space<hbm>>
    %dma_start3A_141 = arith.constant 0 : i32
    %dma_start3A_142 = arith.constant 0 : i32
    %dma_start3A_143 = tpu.memref_slice %arg6[%dma_start3A_132, %dma_start3A_141, %dma_start3A_142] : memref<4x16x1024xf32, #tpu.memory_space<vmem>> -> memref<1x16x1024xf32, #tpu.memory_space<vmem>>
    %dma_start3A_144 = tpu.memref_squeeze %dma_start3A_143 : memref<1x16x1024xf32, #tpu.memory_space<vmem>> -> memref<16x1024xf32, #tpu.memory_space<vmem>>
    tpu.enqueue_dma source(%dma_start3A_144 : memref<16x1024xf32, #tpu.memory_space<vmem>>) target(%dma_start3A_140 : memref<16x1024xf32, #tpu.memory_space<hbm>>) target_semaphore(%arg14 : memref<!tpu.dma_semaphore, #tpu.memory_space<semaphore_mem>>)
    %add3A_145 = arith.constant 960 : i32
    %add3A_146 = arith.addi %mul3A_2, %add3A_145 : i32
    %dma_wait3A_147 = arith.constant 0 : i32
    %dma_wait3A_148 = arith.constant 0 : i32
    %dma_wait3A_149 = arith.constant 0 : i32
    %dma_wait3A_150 = tpu.memref_slice %arg6[%dma_wait3A_147, %dma_wait3A_148, %dma_wait3A_149] : memref<4x16x1024xf32, #tpu.memory_space<vmem>> -> memref<1x16x1024xf32, #tpu.memory_space<vmem>>
    %dma_wait3A_151 = tpu.memref_squeeze %dma_wait3A_150 : memref<1x16x1024xf32, #tpu.memory_space<vmem>> -> memref<16x1024xf32, #tpu.memory_space<vmem>>
    %dma_wait3A_152 = arith.constant 0 : i32
    %dma_wait3A_153 = tpu.memref_slice %arg4[%add3A_146, %dma_wait3A_152] : memref<32768x1024xf32, #tpu.memory_space<hbm>> -> memref<16x1024xf32, #tpu.memory_space<hbm>>
    %dma_wait3A_154 = arith.constant 0 : i32
    %dma_wait3A_155 = tpu.memref_slice %arg4[%add3A_146, %dma_wait3A_154] : memref<32768x1024xf32, #tpu.memory_space<hbm>> -> memref<16x1024xf32, #tpu.memory_space<hbm>>
    %dma_wait3A_156 = arith.constant 0 : i32
    %dma_wait3A_157 = arith.constant 0 : i32
    %dma_wait3A_158 = tpu.memref_slice %arg6[%dma_wait3A_147, %dma_wait3A_156, %dma_wait3A_157] : memref<4x16x1024xf32, #tpu.memory_space<vmem>> -> memref<1x16x1024xf32, #tpu.memory_space<vmem>>
    %dma_wait3A_159 = tpu.memref_squeeze %dma_wait3A_158 : memref<1x16x1024xf32, #tpu.memory_space<vmem>> -> memref<16x1024xf32, #tpu.memory_space<vmem>>
    tpu.wait_dma2 semaphore(%arg11 : memref<!tpu.dma_semaphore, #tpu.memory_space<semaphore_mem>>) src(%dma_wait3A_159 : memref<16x1024xf32, #tpu.memory_space<vmem>>) dst(%dma_wait3A_155 : memref<16x1024xf32, #tpu.memory_space<hbm>>)
    %add3A_160 = arith.constant 976 : i32
    %add3A_161 = arith.addi %mul3A_2, %add3A_160 : i32
    %dma_wait3A_162 = arith.constant 1 : i32
    %dma_wait3A_163 = arith.constant 0 : i32
    %dma_wait3A_164 = arith.constant 0 : i32
    %dma_wait3A_165 = tpu.memref_slice %arg6[%dma_wait3A_162, %dma_wait3A_163, %dma_wait3A_164] : memref<4x16x1024xf32, #tpu.memory_space<vmem>> -> memref<1x16x1024xf32, #tpu.memory_space<vmem>>
    %dma_wait3A_166 = tpu.memref_squeeze %dma_wait3A_165 : memref<1x16x1024xf32, #tpu.memory_space<vmem>> -> memref<16x1024xf32, #tpu.memory_space<vmem>>
    %dma_wait3A_167 = arith.constant 0 : i32
    %dma_wait3A_168 = tpu.memref_slice %arg4[%add3A_161, %dma_wait3A_167] : memref<32768x1024xf32, #tpu.memory_space<hbm>> -> memref<16x1024xf32, #tpu.memory_space<hbm>>
    %dma_wait3A_169 = arith.constant 0 : i32
    %dma_wait3A_170 = tpu.memref_slice %arg4[%add3A_161, %dma_wait3A_169] : memref<32768x1024xf32, #tpu.memory_space<hbm>> -> memref<16x1024xf32, #tpu.memory_space<hbm>>
    %dma_wait3A_171 = arith.constant 0 : i32
    %dma_wait3A_172 = arith.constant 0 : i32
    %dma_wait3A_173 = tpu.memref_slice %arg6[%dma_wait3A_162, %dma_wait3A_171, %dma_wait3A_172] : memref<4x16x1024xf32, #tpu.memory_space<vmem>> -> memref<1x16x1024xf32, #tpu.memory_space<vmem>>
    %dma_wait3A_174 = tpu.memref_squeeze %dma_wait3A_173 : memref<1x16x1024xf32, #tpu.memory_space<vmem>> -> memref<16x1024xf32, #tpu.memory_space<vmem>>
    tpu.wait_dma2 semaphore(%arg12 : memref<!tpu.dma_semaphore, #tpu.memory_space<semaphore_mem>>) src(%dma_wait3A_174 : memref<16x1024xf32, #tpu.memory_space<vmem>>) dst(%dma_wait3A_170 : memref<16x1024xf32, #tpu.memory_space<hbm>>)
    %add3A_175 = arith.constant 992 : i32
    %add3A_176 = arith.addi %mul3A_2, %add3A_175 : i32
    %dma_wait3A_177 = arith.constant 2 : i32
    %dma_wait3A_178 = arith.constant 0 : i32
    %dma_wait3A_179 = arith.constant 0 : i32
    %dma_wait3A_180 = tpu.memref_slice %arg6[%dma_wait3A_177, %dma_wait3A_178, %dma_wait3A_179] : memref<4x16x1024xf32, #tpu.memory_space<vmem>> -> memref<1x16x1024xf32, #tpu.memory_space<vmem>>
    %dma_wait3A_181 = tpu.memref_squeeze %dma_wait3A_180 : memref<1x16x1024xf32, #tpu.memory_space<vmem>> -> memref<16x1024xf32, #tpu.memory_space<vmem>>
    %dma_wait3A_182 = arith.constant 0 : i32
    %dma_wait3A_183 = tpu.memref_slice %arg4[%add3A_176, %dma_wait3A_182] : memref<32768x1024xf32, #tpu.memory_space<hbm>> -> memref<16x1024xf32, #tpu.memory_space<hbm>>
    %dma_wait3A_184 = arith.constant 0 : i32
    %dma_wait3A_185 = tpu.memref_slice %arg4[%add3A_176, %dma_wait3A_184] : memref<32768x1024xf32, #tpu.memory_space<hbm>> -> memref<16x1024xf32, #tpu.memory_space<hbm>>
    %dma_wait3A_186 = arith.constant 0 : i32
    %dma_wait3A_187 = arith.constant 0 : i32
    %dma_wait3A_188 = tpu.memref_slice %arg6[%dma_wait3A_177, %dma_wait3A_186, %dma_wait3A_187] : memref<4x16x1024xf32, #tpu.memory_space<vmem>> -> memref<1x16x1024xf32, #tpu.memory_space<vmem>>
    %dma_wait3A_189 = tpu.memref_squeeze %dma_wait3A_188 : memref<1x16x1024xf32, #tpu.memory_space<vmem>> -> memref<16x1024xf32, #tpu.memory_space<vmem>>
    tpu.wait_dma2 semaphore(%arg13 : memref<!tpu.dma_semaphore, #tpu.memory_space<semaphore_mem>>) src(%dma_wait3A_189 : memref<16x1024xf32, #tpu.memory_space<vmem>>) dst(%dma_wait3A_185 : memref<16x1024xf32, #tpu.memory_space<hbm>>)
    %add3A_190 = arith.constant 1008 : i32
    %add3A_191 = arith.addi %mul3A_2, %add3A_190 : i32
    %dma_wait3A_192 = arith.constant 3 : i32
    %dma_wait3A_193 = arith.constant 0 : i32
    %dma_wait3A_194 = arith.constant 0 : i32
    %dma_wait3A_195 = tpu.memref_slice %arg6[%dma_wait3A_192, %dma_wait3A_193, %dma_wait3A_194] : memref<4x16x1024xf32, #tpu.memory_space<vmem>> -> memref<1x16x1024xf32, #tpu.memory_space<vmem>>
    %dma_wait3A_196 = tpu.memref_squeeze %dma_wait3A_195 : memref<1x16x1024xf32, #tpu.memory_space<vmem>> -> memref<16x1024xf32, #tpu.memory_space<vmem>>
    %dma_wait3A_197 = arith.constant 0 : i32
    %dma_wait3A_198 = tpu.memref_slice %arg4[%add3A_191, %dma_wait3A_197] : memref<32768x1024xf32, #tpu.memory_space<hbm>> -> memref<16x1024xf32, #tpu.memory_space<hbm>>
    %dma_wait3A_199 = arith.constant 0 : i32
    %dma_wait3A_200 = tpu.memref_slice %arg4[%add3A_191, %dma_wait3A_199] : memref<32768x1024xf32, #tpu.memory_space<hbm>> -> memref<16x1024xf32, #tpu.memory_space<hbm>>
    %dma_wait3A_201 = arith.constant 0 : i32
    %dma_wait3A_202 = arith.constant 0 : i32
    %dma_wait3A_203 = tpu.memref_slice %arg6[%dma_wait3A_192, %dma_wait3A_201, %dma_wait3A_202] : memref<4x16x1024xf32, #tpu.memory_space<vmem>> -> memref<1x16x1024xf32, #tpu.memory_space<vmem>>
    %dma_wait3A_204 = tpu.memref_squeeze %dma_wait3A_203 : memref<1x16x1024xf32, #tpu.memory_space<vmem>> -> memref<16x1024xf32, #tpu.memory_space<vmem>>
    tpu.wait_dma2 semaphore(%arg14 : memref<!tpu.dma_semaphore, #tpu.memory_space<semaphore_mem>>) src(%dma_wait3A_204 : memref<16x1024xf32, #tpu.memory_space<vmem>>) dst(%dma_wait3A_200 : memref<16x1024xf32, #tpu.memory_space<hbm>>)
    return
  }
}

</mosaic_0001>

<sc_bundles>
// kernel: kernel.3.cloned.1.call-start
scs
__scs_entry_jumppad:
0x0: {  	(pc) =	sbr.rel $0x88, $3  }
0x1: {  	(tag) =	ssettag $0x0;
	lr =	simm.s32 $0x1  }
0x2: {  	[smem:$0x3F9F] =	sst lr;
	_ =	strace $0xD0000000  }
0x3: {  	_ = 	snop  }
0x4: {  	_ = 	snop  }
0x5: {  	_ = 	snop  }
0x6: {  	_ = 	snop  }
0x7: {  	_ = 	snop  }
__scs_overlays_trampoline_lowered:
0x8: {  	[smem:$0x3FAE] =	sst s0  }
0x9: {  	[smem:$0x3FAF] =	sst s1  }
0xa: {  	[smem:$0x3FB0] =	sst s2  }
0xb: {  	[smem:$0x3FB1] =	sst s3  }
0xc: {  	[smem:$0x3FB2] =	sst s4  }
0xd: {  	[smem:$0x3FB3] =	sst s5  }
0xe: {  	[smem:$0x3FB4] =	sst s6  }
0xf: {  	[smem:$0x3FB5] =	sst s7  }
0x10: {  	[smem:$0x3FB6] =	sst s8  }
0x11: {  	[smem:$0x3FB7] =	sst s9;
	s0 =	simm.s32 @!p0 $0x0  }
0x12: {  	s1 =	sld [smem:$0x3F9D];
	s0 =	simm.s32 @p0 $0x1  }
0x13: {  	[smem:$0x3FB8] =	sst s0;
	s0 =	simm.s32 @!p1 $0x0  }
0x14: {  	s2 =	sld [smem:$0x3F9C];
	s0 =	simm.s32 @p1 $0x1  }
0x15: {  	[smem:$0x3FB9] =	sst s0;
	s0 =	simm.s32 @!p2 $0x0  }
0x16: {  	s3 =	sld [smem:$0x3FDB];
	s0 =	simm.s32 @p2 $0x1  }
0x17: {  	s4 =	simm.s32 $0x1BF5;
	[smem:$0x3FBB] =	sst s0  }
0x18: {  	s0 =	sld [smem:$0x3F9E];
	_ =	swait.ge [sflag:s4], $0x0  }
0x19: {  	s7 =	sld [smem:$0x3F9F]  }
0x1a: {  	s8 =	sadd.s32 $0xFFFFE003, lr  }
0x1b: {  	s9 =	sadd.s32 $0xFFFFFEF7, lr;
	s5 =	simm.s32 $0xFFFFFFFF;
	p2 =	slt.u32 s8, $0xFFFFF086  }
0x1c: {  	p1 =	slt.u32 s9, $0xF7A;
	s5 =	simm.s32 @!p2 $0x0  }
0x1d: {  	s5 =	simm.s32 @p1 $0x1;
	p0 =	seq.s32 s7, s2  }
0x1e: {  	s7 =	smul.u32 @!p0 $0xF7A, s2;
	p2 =	seq.s32 @!p0 s5, $0x0  }
0x1f: {  	s9 =	smul.u32 $0xF7A, s1;
	s8 =	simm.s32 @!p0 $0x1BF5;
	p2 =	por !p2, p0  }
0x20: {  	[sflag:s8] =	ssyncset.s32 @!p0 $0xFFFFF086;
	s6 =	sadd.s32 @!p0 s3, s7;
	s7 =	simm.s32 @!p0 $0x108  }
0x21: {  	s3 =	sadd.s32 s3, s9;
	s6 =	sadd.s32 @!p0 $0x88, s6;
	s7 =	simm.s32 @p2 $0x1082  }
0x22: {  	[simem:s7], [sflag:s8] =	dma.local @!p0 [hbm:s6], $0xF7A  }
0x23: {  	s9 =	sor.u32 $0xD0000000, s2;
	s6 =	simm.s32 $0x108;
	_ =	swait.ge @!p0 [sflag:s8], $0x0  }
0x24: {  	s3 =	sadd.s32 $0x88, s3;
	s6 =	simm.s32 @!p1 $0x1082;
	[sflag:s4] =	ssyncset.s32 $0xFFFFF086  }
0x25: {  	[simem:s6], [sflag:s4] =	dma.local [hbm:s3], $0xF7A  }
0x26: {  	[smem:$0x3F9F] =	sst s1;
	(tag) =	ssettag s2;
	_ =	strace s9  }
0x27: {  	s1 =	sld [smem:$0x3FAF]  }
0x28: {  	s2 =	sld [smem:$0x3FB0]  }
0x29: {  	s4 =	sld [smem:$0x3FB2]  }
0x2a: {  	p0 =	seq.s32 s5, $0x0;
	s5 =	sld [smem:$0x3FB3]  }
0x2b: {  	s6 =	sld [smem:$0x3FB4]  }
0x2c: {  	s7 =	sld [smem:$0x3FB5]  }
0x2d: {  	s3 =	simm.s32 $0x108;
	s8 =	sld [smem:$0x3FB6]  }
0x2e: {  	s3 =	simm.s32 @!p0 $0x1082;
	s9 =	sld [smem:$0x3FB7]  }
0x2f: {  	lr =	sadd.s32 s0, s3;
	s0 =	sld [smem:$0x3FAE]  }
0x30: {  	s3 =	sld [smem:$0x3FB1]  }
0x31: {  	[smem:$0x3FBA] =	sst s10  }
0x32: {  	s10 =	sld [smem:$0x3FB8];
	_ =	sdelay $0x3  }
0x33: {  	p0 =	seq.s32 s10, $0x1;
	s10 =	sld [smem:$0x3FBA];
	_ =	sdelay $0x3  }
0x34: {  	[smem:$0x3FBA] =	sst s10  }
0x35: {  	s10 =	sld [smem:$0x3FB9];
	_ =	sdelay $0x3  }
0x36: {  	p1 =	seq.s32 s10, $0x1;
	s10 =	sld [smem:$0x3FBA];
	_ =	sdelay $0x3  }
0x37: {  	[smem:$0x3FBA] =	sst s10  }
0x38: {  	s10 =	sld [smem:$0x3FBB]  }
0x39: {  	_ = 	snop;
	(pc) =	sbr.ind lr, $3  }
0x3a: {  	_ = 	snop  }
0x3b: {  	_ = 	snop  }
0x3c: {  	p2 =	seq.s32 s10, $0x1;
	s10 =	sld [smem:$0x3FBA]  }
0x3d: {  	_ =	shalt  }
0x3e: {  	_ =	shalt  }
0x3f: {  	_ =	shalt  }
0x40: {  	_ =	shalt  }
0x41: {  	_ =	shalt  }
0x42: {  	_ =	shalt  }
0x43: {  	_ =	shalt  }
0x44: {  	_ =	shalt  }
0x45: {  	_ =	shalt  }
0x46: {  	_ =	shalt  }
0x47: {  	_ =	shalt  }
0x48: {  	_ =	shalt  }
0x49: {  	_ =	shalt  }
0x4a: {  	_ =	shalt  }
0x4b: {  	_ =	shalt  }
0x4c: {  	_ =	shalt  }
0x4d: {  	_ =	shalt  }
0x4e: {  	_ =	shalt  }
0x4f: {  	_ =	shalt  }
0x50: {  	_ =	shalt  }
0x51: {  	_ =	shalt  }
0x52: {  	_ =	shalt  }
0x53: {  	_ =	shalt  }
0x54: {  	_ =	shalt  }
0x55: {  	_ =	shalt  }
0x56: {  	_ =	shalt  }
0x57: {  	_ =	shalt  }
0x58: {  	_ =	shalt  }
0x59: {  	_ =	shalt  }
0x5a: {  	_ =	shalt  }
0x5b: {  	_ =	shalt  }
0x5c: {  	_ =	shalt  }
0x5d: {  	_ =	shalt  }
0x5e: {  	_ =	shalt  }
0x5f: {  	_ =	shalt  }
0x60: {  	_ =	shalt  }
0x61: {  	_ =	shalt  }
0x62: {  	_ =	shalt  }
0x63: {  	_ =	shalt  }
0x64: {  	_ =	shalt  }
0x65: {  	_ =	shalt  }
0x66: {  	_ =	shalt  }
0x67: {  	_ =	shalt  }
0x68: {  	_ =	shalt  }
0x69: {  	_ =	shalt  }
0x6a: {  	_ =	shalt  }
0x6b: {  	_ =	shalt  }
0x6c: {  	_ =	shalt  }
0x6d: {  	_ =	shalt  }
0x6e: {  	_ =	shalt  }
0x6f: {  	_ =	shalt  }
0x70: {  	_ =	shalt  }
0x71: {  	_ =	shalt  }
0x72: {  	_ =	shalt  }
0x73: {  	_ =	shalt  }
0x74: {  	_ =	shalt  }
0x75: {  	_ =	shalt  }
0x76: {  	_ =	shalt  }
0x77: {  	_ =	shalt  }
0x78: {  	_ =	shalt  }
0x79: {  	_ =	shalt  }
0x7a: {  	_ =	shalt  }
0x7b: {  	_ =	shalt  }
0x7c: {  	_ =	shalt  }
0x7d: {  	_ =	shalt  }
0x7e: {  	_ =	shalt  }
0x7f: {  	_ =	shalt  }
0x80: {  	_ =	shalt  }
0x81: {  	_ =	shalt  }
0x82: {  	_ =	shalt  }
0x83: {  	_ =	shalt  }
0x84: {  	_ =	shalt  }
0x85: {  	_ =	shalt  }
0x86: {  	_ =	shalt  }
0x87: {  	_ =	shalt  }
.Lfunc_end0:
.L_simem_size_0:
called_computation_lowered:
.L_overlay_start_0:
0x88: {  	s2 =	sld [smem:$0x3FD9]  }
0x89: {  	s3 =	sld [smem:$0x3FFE];
	_ =	sdelay $0x1  }
0x8a: {  	s1 =	srdreg.scid  }
0x8b: {  	s0 =	sand.u32 $0x1, s1  }
0x8c: {  	s17 =	sshll.u32 s0, $0xA;
	s2 =	sadd.s32 s3, s2  }
0x8d: {  	s2 =	sadd.s32 s2, s17  }
0x8e: {  	[smem:$0x3FC6] =	sst s2  }
0x8f: {  	_ = 	snop  }
0x90: {  	s2 =	sld [smem:$0x3FC8]  }
0x91: {  	s18 =	sld [smem:$0x3FD0];
	(tm) =	ssettm $0x1  }
0x92: {  	s4 =	sld [smem:$0x3FFB];
	_ =	sdelay $0x3  }
0x93: {  	_ =	strace s4  }
0x94: {  	s4 =	sld [smem:$0x3FFC];
	_ =	sdelay $0x3  }
0x95: {  	_ =	strace s4  }
0x96: {  	s4 =	sld [smem:$0x3FFD];
	_ =	sdelay $0x3  }
0x97: {  	_ =	strace s4  }
0x98: {  	_ =	strace $0x8FFFFFFF  }
0x99: {  	s19 =	sld [smem:$0x3FDB];
	_ =	sdelay $0x1  }
0x9a: {  	s5 =	simm.s32 $_scs_section_size  }
0x9b: {  	s6 =	simm.s32 $_size__tile_overlayer_lowered;
	s7 =	simm.s32 $_tile_overlayer_lowered  }
0x9c: {  	s22 =	simm.s32 $0x1BFF;
	s21 =	sshll.u32 s7, $0x1;
	s4 =	sadd.s32 s5, s19  }
0x9d: {  	s8 =	simm.s32 $0x0;
	s20 =	sshll.u32 s6, $0x1;
	s6 =	sadd.s32 s21, s4  }
0x9e: {  	[timem:s8], [sflag:s22] =	dma.local [hbm:s6], s20  }
0x9f: {  	_ =	swait.ge [sflag:s22], s20  }
0xa0: {  	s5 =	ssub.s32 $0x0, s20;
	[sflag:s22] =	ssyncset.done $0x0  }
0xa1: {  	[sflag:s22] =	ssyncadd.s32 s5;
	_ =	sdelay $0x1  }
0xa2: {  	s23 =	simm.s32 $0x1B8B  }
0xa3: {  	_ =	swait.ge [sflag:s23], $0x1  }
0xa4: {  	[sflag:s23] =	ssyncset.done $0x0  }
0xa5: {  	s25 =	simm.s32 $0x1B8E;
	s24 =	sld [smem:$0x3FFE];
	[sflag:s23] =	ssyncadd.s32 $0xFFFFFFFF  }
0xa6: {  	s26 =	simm.s32 $execute0_lowered;
	[smem:$0x3FD2] =	sst s25  }
0xa7: {  	s6 =	sshll.u32 s26, $0x1;
	_ =	strace $0x80000046;
	[dreg:$0x1] =	wrdreg $0xFFFFFFFF  }
0xa8: {  	s28 =	simm.s32 $_size_execute0_lowered;
	s4 =	sadd.s32 s4, s6;
	[dreg:$0x0] =	wrdreg $0x0  }
0xa9: {  	s6 =	sshll.u32 s28, $0x1;
	[dreg:$0x2] =	wrdreg s4  }
0xaa: {  	[dreg:$0x3] =	wrdreg s6  }
0xab: {  	[dreg:$0x4] =	wrdreg $0xC0  }
0xac: {  	_ =	task [dreg:s8], $0x5FFFF  }
0xad: {  	[dreg:$0x1] =	wrdreg $0xFFFFFFFF  }
0xae: {  	[dreg:$0x0] =	wrdreg $0x60  }
0xaf: {  	[dreg:$0x2] =	wrdreg s2  }
0xb0: {  	[dreg:$0x3] =	wrdreg s24  }
0xb1: {  	[dreg:$0x4] =	wrdreg s18  }
0xb2: {  	[dreg:$0x5] =	wrdreg $0x9  }
0xb3: {  	_ =	task.clear_ibuf [dreg:s8], $0x6FFFF;
	_ =	strace $0x90000046  }
0xb4: {  	s29 =	simm.s32 $0x9;
	_ =	strace $0x80000048  }
0xb5: {  	_ =	swait.ge [sflag:s29], $0x1  }
0xb6: {  	[sflag:s29] =	ssyncadd.s32 $0xFFFFFFFF  }
0xb7: {  	_ =	strace $0x90000048  }
0xb8: {  	_ =	sfence  }
0xb9: {  	s30 =	sld [smem:$0x0];
	_ =	sdelay $0x2  }
0xba: {  	s31 =	sshll.u32 s1, $0xD;
	s1 =	sshrl.u32 s1, $0x2  }
0xbb: {  	s3 =	sand.u32 $0x4000, s31;
	s1 =	sadd.s32 s1, s30  }
0xbc: {  	s0 =	sor.u32 s3, s0;
	s1 =	sshll.u32 s1, $0x11  }
0xbd: {  	s0 =	sor.u32 s1, s0  }
0xbe: {  	s0 =	sadd.s32 $0x8F2B, s0  }
0xbf: {  	[sflag:s0] =	ssyncadd.remote.s32 $0x1  }
0xc0: {  	_ =	sfence.sel $0xFFFF  }
0xc1: {  	[dreg:$0x0] =	wrdreg $0xFFFFFFFF;
	(pc) =	sbr.abs _section_cstart, $3  }
0xc2: {  	[dreg:$0x1] =	wrdreg $0xFFFFFFFF  }
0xc3: {  	_ =	task.clear_ibuf [dreg:s8], $0x2FFFF;
	_ =	strace $0x9FFFFFFF  }
0xc4: {  	(tm) =	ssettm $0x7FFFFFFF  }
0xc5: {  	_ =	shalt  }
tec
execute0_lowered:
.L_overlay_start_1:
0x0: {  	(tag) =	ssettag $0x1  }
0x1: {  	s2 =	rddreg [dreg:$0x0]  }
0x2: {  	s0 =	rddreg [dreg:$0x1];
	s1 =	srdreg.scid  }
0x3: {  	s4 =	rddreg [dreg:$0x2];
	s10 =	stileid.u32  }
0x4: {  	s3 =	simm.s32 $0x0;
	s12 =	simm.s32 $0x3400;
	s15 =	simm.s32 $0x3C00  }
0x5: {  	s31 =	simm.s32 $0x4400;
	s16 =	simm.s32 $0x4C00;
	s17 =	simm.s32 $0x5400  }
0x6: {  	s14 =	simm.s32 $0x7400;
	s11 =	simm.s32 $0x8400;
	s13 =	simm.s32 $0xC400  }
0x7: {  	s28 =	simm.s32 $0x7;
	s29 =	simm.s32 $0x4;
	s30 =	simm.s32 $0x8  }
0x8: {  	s1 =	sand.u32 $0x1, s1;
	s5 =	sshll.u32 s10, $0xB;
	[smem:$0x7FF] =	sst s3  }
0x9: {  	s20 =	sshll.u32 s10, $0x12;
	s10 =	simm.s32 $0x2400;
	s6 =	sshll.u32 s1, $0xA  }
0xa: {  	s18 =	ssub.s32 $0x2, s1;
	_ =	strace $0x80000047;
	s22 =	sadd.s32 s20, s4  }
0xb: {  	s1 =	sshll.u32 s1, $0x11;
	s20 =	simm.s32 $0x6C00;
	s8 =	sor.u32 s6, s5  }
0xc: {  	s7 =	sshrl.u32 s18, $0x1;
	s5 =	sadd.s32 $0x100, s2;
	s6 =	sshrl.u32 s8, $0x3  }
0xd: {  	s9 =	ssub.s32 s18, s7;
	s7 =	sadd.s32 $0x300, s2;
	s19 =	sshll.u32 s8, $0x7  }
0xe: {  	s18 =	simm.s32 $0x5C00;
	s8 =	simm.s32 $0x1;
	s0 =	sadd.s32 s6, s0  }
0xf: {  	s6 =	sadd.s32 $0x200, s2;
	s21 =	sadd.s32 s4, s19;
	s26 =	smax.u32 s9, $0x1  }
0x10: {  	s4 =	simm.s32 $0xC00;
	s9 =	simm.s32 $0x1400;
	[dreg:$0x6] =	wrdreg s21  }
0x11: {  	s19 =	simm.s32 $0x6400;
	s0 =	sadd.s32 $0x400, s0;
	[dreg:$0xa] =	wrdreg s26  }
0x12: {  	s23 =	sadd.s32 $0x1E800, s21;
	s24 =	sadd.s32 $0x1F000, s21;
	[dreg:$0x5] =	wrdreg s0  }
0x13: {  	s25 =	sadd.s32 $0x1F800, s21;
	s21 =	simm.s32 $0x400;
	[dreg:$0x7] =	wrdreg s23  }
0x14: {  	s26 =	simm.s32 $0x3;
	[dreg:$0x8] =	wrdreg s24;
	s0 =	sadd.s32 s1, s22  }
0x15: {  	v2 =	vlaneseq.u32;
	[dreg:$0x9] =	wrdreg s25;
	s1 =	simm.s32 $0x1C00;
	s22 =	simm.s32 $0x2C00  }
0x16: {  	vm0 =	vmmov $0xffff;
	v1 =	vshrl.u32 v2, $0x3;
	s23 =	simm.s32 $0x5;
	[dreg:$0x4] =	wrdreg s0;
	s0 =	simm.s32 $0x0  }
0x17: {  	v0 =	vand.u32 $0x7, v2;
	v2 =	vor.u32 $0x8, v2;
	v1 =	vmul.u32 $0x8, v1;
	s24 =	simm.s32 $0x2;
	s25 =	simm.s32 $0x6;
	[dreg:$0xb] =	wrdreg s0  }
.LBB2_1:
0x18: {  	s0 =	rddreg [dreg:$0x5]  }
0x19: {  	[tilespmem:s3], [sflag:$0x9] =	stream.linear.gather [hbm4b:s0+s3], $0x400, $0x38;
	[tilespmem:$0x10400] =	vst v63  }
0x1a: {  	s0 =	simm.s32 $0x9  }
0x1b: {  	_ =	swait.ge [sflag:s0], $0x400  }
0x1c: {  	[sflag:s0] =	ssyncset.done $0x0  }
0x1d: {  	[sflag:s0] =	ssyncadd.s32 $0xFFFFFC00  }
0x1e: {  	v3 =	vld [tilespmem:$0x0];
	_ =	sdelay $0x4  }
0x1f: {  	v4 =	vshll.u32 v3, $0x3  }
0x20: {  	v3 =	vand.u32 $0x7, v3;
	v4 =	vand.u32 $0xFFFFFFC0, v4  }
0x21: {  	v3 =	vor.u32 v3, v4  }
0x22: {  	v4 =	vperm.xlane v3, v0;
	_ =	sdelay $0x1  }
0x23: {  	v4 =	vadd.s32 v1, v4;
	_ =	sdelay $0x4  }
0x24: {  	[tilespmem:s21], [sflag:$0x1] =	stream.indirect_vreg.gather [hbm4b:s2+s3], $0x80, v4, vm0, $0xb8;
	[tilespmem:$0x10400] =	vst v63  }
0x25: {  	v3 =	vperm.xlane v3, v2  }
0x26: {  	[tilespmem:s4], [sflag:$0x1] =	stream.indirect_vreg.gather [hbm4b:s5+s3], $0x80, v4, vm0, $0xb8;
	[tilespmem:$0x10400] =	vst v63  }
0x27: {  	v3 =	vadd.s32 v1, v3  }
0x28: {  	[tilespmem:s9], [sflag:$0x1] =	stream.indirect_vreg.gather [hbm4b:s6+s3], $0x80, v4, vm0, $0xb8;
	[tilespmem:$0x10400] =	vst v63  }
0x29: {  	_ = 	snop  }
0x2a: {  	[tilespmem:s1], [sflag:$0x1] =	stream.indirect_vreg.gather [hbm4b:s7+s3], $0x80, v4, vm0, $0xb8;
	[tilespmem:$0x10400] =	vst v63  }
0x2b: {  	_ = 	snop  }
0x2c: {  	[tilespmem:s10], [sflag:$0x1] =	stream.indirect_vreg.gather [hbm4b:s2+s3], $0x80, v3, vm0, $0xb8;
	[tilespmem:$0x10400] =	vst v63  }
0x2d: {  	_ = 	snop  }
0x2e: {  	[tilespmem:s22], [sflag:$0x1] =	stream.indirect_vreg.gather [hbm4b:s5+s3], $0x80, v3, vm0, $0xb8;
	[tilespmem:$0x10400] =	vst v63  }
0x2f: {  	_ = 	snop  }
0x30: {  	[tilespmem:s12], [sflag:$0x1] =	stream.indirect_vreg.gather [hbm4b:s6+s3], $0x80, v3, vm0, $0xb8;
	[tilespmem:$0x10400] =	vst v63  }
0x31: {  	_ = 	snop  }
0x32: {  	[tilespmem:s15], [sflag:$0x1] =	stream.indirect_vreg.gather [hbm4b:s7+s3], $0x80, v3, vm0, $0xb8;
	[tilespmem:$0x10400] =	vst v63  }
0x33: {  	v3 =	vld [tilespmem:$0x10];
	_ =	sdelay $0x4  }
0x34: {  	v61 =	vshll.u32 v3, $0x3  }
0x35: {  	v3 =	vand.u32 $0x7, v3;
	v4 =	vand.u32 $0xFFFFFFC0, v61  }
0x36: {  	v3 =	vor.u32 v3, v4  }
0x37: {  	v4 =	vperm.xlane v3, v0;
	_ =	sdelay $0x1  }
0x38: {  	v4 =	vadd.s32 v1, v4;
	_ =	sdelay $0x4  }
0x39: {  	[tilespmem:s31], [sflag:$0x2] =	stream.indirect_vreg.gather [hbm4b:s2+s3], $0x80, v4, vm0, $0xb8;
	[tilespmem:$0x10400] =	vst v63  }
0x3a: {  	v3 =	vperm.xlane v3, v2  }
0x3b: {  	[tilespmem:s16], [sflag:$0x2] =	stream.indirect_vreg.gather [hbm4b:s5+s3], $0x80, v4, vm0, $0xb8;
	[tilespmem:$0x10400] =	vst v63  }
0x3c: {  	v3 =	vadd.s32 v1, v3  }
0x3d: {  	[tilespmem:s17], [sflag:$0x2] =	stream.indirect_vreg.gather [hbm4b:s6+s3], $0x80, v4, vm0, $0xb8;
	[tilespmem:$0x10400] =	vst v63  }
0x3e: {  	_ = 	snop  }
0x3f: {  	[tilespmem:s18], [sflag:$0x2] =	stream.indirect_vreg.gather [hbm4b:s7+s3], $0x80, v4, vm0, $0xb8;
	[tilespmem:$0x10400] =	vst v63  }
0x40: {  	_ = 	snop  }
0x41: {  	[tilespmem:s19], [sflag:$0x2] =	stream.indirect_vreg.gather [hbm4b:s2+s3], $0x80, v3, vm0, $0xb8;
	[tilespmem:$0x10400] =	vst v63  }
0x42: {  	_ = 	snop  }
0x43: {  	[tilespmem:s20], [sflag:$0x2] =	stream.indirect_vreg.gather [hbm4b:s5+s3], $0x80, v3, vm0, $0xb8;
	[tilespmem:$0x10400] =	vst v63  }
0x44: {  	_ = 	snop  }
0x45: {  	[tilespmem:s14], [sflag:$0x2] =	stream.indirect_vreg.gather [hbm4b:s6+s3], $0x80, v3, vm0, $0xb8;
	[tilespmem:$0x10400] =	vst v63  }
0x46: {  	s10 =	simm.s32 $0x7C00  }
0x47: {  	[tilespmem:s10], [sflag:$0x2] =	stream.indirect_vreg.gather [hbm4b:s7+s3], $0x80, v3, vm0, $0xb8;
	[tilespmem:$0x10400] =	vst v63  }
0x48: {  	v3 =	vld [tilespmem:$0x20];
	_ =	sdelay $0x4  }
0x49: {  	v62 =	vshll.u32 v3, $0x3  }
0x4a: {  	v3 =	vand.u32 $0x7, v3;
	v4 =	vand.u32 $0xFFFFFFC0, v62  }
0x4b: {  	v3 =	vor.u32 v3, v4  }
0x4c: {  	v4 =	vperm.xlane v3, v0;
	_ =	sdelay $0x1  }
0x4d: {  	v4 =	vadd.s32 v1, v4;
	_ =	sdelay $0x4  }
0x4e: {  	[tilespmem:s11], [sflag:$0x3] =	stream.indirect_vreg.gather [hbm4b:s2+s3], $0x80, v4, vm0, $0xb8;
	[tilespmem:$0x10400] =	vst v63  }
0x4f: {  	v3 =	vperm.xlane v3, v2;
	s11 =	simm.s32 $0x8C00  }
0x50: {  	[tilespmem:s11], [sflag:$0x3] =	stream.indirect_vreg.gather [hbm4b:s5+s3], $0x80, v4, vm0, $0xb8;
	[tilespmem:$0x10400] =	vst v63  }
0x51: {  	s12 =	simm.s32 $0x9400;
	v3 =	vadd.s32 v1, v3  }
0x52: {  	[tilespmem:s12], [sflag:$0x3] =	stream.indirect_vreg.gather [hbm4b:s6+s3], $0x80, v4, vm0, $0xb8;
	[tilespmem:$0x10400] =	vst v63  }
0x53: {  	s14 =	simm.s32 $0x9C00  }
0x54: {  	[tilespmem:s14], [sflag:$0x3] =	stream.indirect_vreg.gather [hbm4b:s7+s3], $0x80, v4, vm0, $0xb8;
	[tilespmem:$0x10400] =	vst v63  }
0x55: {  	s15 =	simm.s32 $0xA400  }
0x56: {  	[tilespmem:s15], [sflag:$0x3] =	stream.indirect_vreg.gather [hbm4b:s2+s3], $0x80, v3, vm0, $0xb8;
	[tilespmem:$0x10400] =	vst v63  }
0x57: {  	s16 =	simm.s32 $0xAC00  }
0x58: {  	[tilespmem:s16], [sflag:$0x3] =	stream.indirect_vreg.gather [hbm4b:s5+s3], $0x80, v3, vm0, $0xb8;
	[tilespmem:$0x10400] =	vst v63  }
0x59: {  	s17 =	simm.s32 $0xB400  }
0x5a: {  	[tilespmem:s17], [sflag:$0x3] =	stream.indirect_vreg.gather [hbm4b:s6+s3], $0x80, v3, vm0, $0xb8;
	[tilespmem:$0x10400] =	vst v63  }
0x5b: {  	s18 =	simm.s32 $0xBC00  }
0x5c: {  	[tilespmem:s18], [sflag:$0x3] =	stream.indirect_vreg.gather [hbm4b:s7+s3], $0x80, v3, vm0, $0xb8;
	[tilespmem:$0x10400] =	vst v63  }
0x5d: {  	_ =	swait.ge [sflag:s8], $0x4000  }
0x5e: {  	[sflag:s8] =	ssyncset.done $0x0  }
0x5f: {  	s19 =	rddreg [dreg:$0x6];
	[sflag:s8] =	ssyncadd.s32 $0xFFFFC000  }
0x60: {  	[hbm4b:s19+s3] =	stream.linear.scatter [tilespmem:s21], [sflag:$0x5], $0x4000, $0x38;
	[tilespmem:$0x10400] =	vst v63  }
0x61: {  	v3 =	vld [tilespmem:$0x30];
	_ =	sdelay $0x4  }
0x62: {  	v63 =	vshll.u32 v3, $0x3  }
0x63: {  	v3 =	vand.u32 $0x7, v3;
	v4 =	vand.u32 $0xFFFFFFC0, v63  }
0x64: {  	v3 =	vor.u32 v3, v4  }
0x65: {  	v4 =	vperm.xlane v3, v0;
	_ =	sdelay $0x1  }
0x66: {  	v4 =	vadd.s32 v1, v4;
	_ =	sdelay $0x4  }
0x67: {  	[tilespmem:s13], [sflag:$0x4] =	stream.indirect_vreg.gather [hbm4b:s2+s3], $0x80, v4, vm0, $0xb8;
	[tilespmem:$0x10400] =	vst v63  }
0x68: {  	s20 =	simm.s32 $0xCC00;
	v3 =	vperm.xlane v3, v2  }
0x69: {  	[tilespmem:s20], [sflag:$0x4] =	stream.indirect_vreg.gather [hbm4b:s5+s3], $0x80, v4, vm0, $0xb8;
	[tilespmem:$0x10400] =	vst v63  }
0x6a: {  	s21 =	simm.s32 $0xD400;
	v3 =	vadd.s32 v1, v3  }
0x6b: {  	[tilespmem:s21], [sflag:$0x4] =	stream.indirect_vreg.gather [hbm4b:s6+s3], $0x80, v4, vm0, $0xb8;
	[tilespmem:$0x10400] =	vst v63  }
0x6c: {  	s0 =	simm.s32 $0x70;
	s22 =	simm.s32 $0xDC00  }
0x6d: {  	[tilespmem:s22], [sflag:$0x4] =	stream.indirect_vreg.gather [hbm4b:s7+s3], $0x80, v4, vm0, $0xb8;
	[tilespmem:$0x10400] =	vst v63  }
0x6e: {  	s1 =	simm.s32 $0x0;
	s31 =	simm.s32 $0xE400;
	s10 =	simm.s32 $0x1C00  }
0x6f: {  	[tilespmem:s31], [sflag:$0x4] =	stream.indirect_vreg.gather [hbm4b:s2+s3], $0x80, v3, vm0, $0xb8;
	[tilespmem:$0x10400] =	vst v63  }
0x70: {  	s12 =	simm.s32 $0x2C00;
	s14 =	simm.s32 $0x7400;
	s17 =	simm.s32 $0xEC00  }
0x71: {  	[tilespmem:s17], [sflag:$0x4] =	stream.indirect_vreg.gather [hbm4b:s5+s3], $0x80, v3, vm0, $0xb8;
	[tilespmem:$0x10400] =	vst v63  }
0x72: {  	s16 =	simm.s32 $0x3C00;
	s18 =	simm.s32 $0x5400;
	s19 =	simm.s32 $0xF400  }
0x73: {  	[tilespmem:s19], [sflag:$0x4] =	stream.indirect_vreg.gather [hbm4b:s6+s3], $0x80, v3, vm0, $0xb8;
	[tilespmem:$0x10400] =	vst v63  }
0x74: {  	s20 =	simm.s32 $0x6400;
	s21 =	simm.s32 $0xFC00;
	s22 =	simm.s32 $0x400  }
0x75: {  	[tilespmem:s21], [sflag:$0x4] =	stream.indirect_vreg.gather [hbm4b:s7+s3], $0x80, v3, vm0, $0xb8;
	[tilespmem:$0x10400] =	vst v63  }
.LBB2_2:
0x76: {  	_ =	swait.ge [sflag:s23], $0x4000  }
0x77: {  	[sflag:s23] =	ssyncset.done $0x0  }
0x78: {  	[sflag:s23] =	ssyncadd.s32 $0xFFFFC000  }
0x79: {  	v3 =	vld [tilespmem:s0+$0xFFFFFFD0];
	_ =	sdelay $0x4  }
0x7a: {  	v4 =	vshll.u32 v3, $0x3  }
0x7b: {  	v3 =	vand.u32 $0x7, v3;
	v4 =	vand.u32 $0xFFFFFFC0, v4  }
0x7c: {  	v3 =	vor.u32 v3, v4  }
0x7d: {  	v4 =	vperm.xlane v3, v0;
	_ =	sdelay $0x1  }
0x7e: {  	v4 =	vadd.s32 v1, v4;
	_ =	sdelay $0x4  }
0x7f: {  	[tilespmem:s22], [sflag:$0x1] =	stream.indirect_vreg.gather [hbm4b:s2+s3], $0x80, v4, vm0, $0xb8;
	[tilespmem:$0x10400] =	vst v63  }
0x80: {  	v3 =	vperm.xlane v3, v2  }
0x81: {  	[tilespmem:s4], [sflag:$0x1] =	stream.indirect_vreg.gather [hbm4b:s5+s3], $0x80, v4, vm0, $0xb8;
	[tilespmem:$0x10400] =	vst v63  }
0x82: {  	v3 =	vadd.s32 v1, v3  }
0x83: {  	[tilespmem:s9], [sflag:$0x1] =	stream.indirect_vreg.gather [hbm4b:s6+s3], $0x80, v4, vm0, $0xb8;
	[tilespmem:$0x10400] =	vst v63  }
0x84: {  	_ = 	snop  }
0x85: {  	[tilespmem:s10], [sflag:$0x1] =	stream.indirect_vreg.gather [hbm4b:s7+s3], $0x80, v4, vm0, $0xb8;
	[tilespmem:$0x10400] =	vst v63  }
0x86: {  	s15 =	simm.s32 $0x2400  }
0x87: {  	[tilespmem:s15], [sflag:$0x1] =	stream.indirect_vreg.gather [hbm4b:s2+s3], $0x80, v3, vm0, $0xb8;
	[tilespmem:$0x10400] =	vst v63  }
0x88: {  	_ = 	snop  }
0x89: {  	[tilespmem:s12], [sflag:$0x1] =	stream.indirect_vreg.gather [hbm4b:s5+s3], $0x80, v3, vm0, $0xb8;
	[tilespmem:$0x10400] =	vst v63  }
0x8a: {  	s9 =	simm.s32 $0x3400  }
0x8b: {  	[tilespmem:s9], [sflag:$0x1] =	stream.indirect_vreg.gather [hbm4b:s6+s3], $0x80, v3, vm0, $0xb8;
	[tilespmem:$0x10400] =	vst v63  }
0x8c: {  	_ = 	snop  }
0x8d: {  	[tilespmem:s16], [sflag:$0x1] =	stream.indirect_vreg.gather [hbm4b:s7+s3], $0x80, v3, vm0, $0xb8;
	[tilespmem:$0x10400] =	vst v63  }
0x8e: {  	_ =	swait.ge [sflag:s24], $0x4000  }
0x8f: {  	s11 =	rddreg [dreg:$0x4]  }
0x90: {  	[sflag:s24] =	ssyncset.done $0x0;
	s4 =	sadd.s32 s1, s11  }
0x91: {  	[sflag:s24] =	ssyncadd.s32 $0xFFFFC000;
	s11 =	simm.s32 $0x4400;
	s15 =	sadd.s32 $0x800, s4  }
0x92: {  	[hbm4b:s15+s3] =	stream.linear.scatter [tilespmem:s11], [sflag:$0x6], $0x4000, $0x38;
	[tilespmem:$0x10400] =	vst v63  }
0x93: {  	_ =	swait.ge [sflag:s25], $0x4000  }
0x94: {  	[sflag:s25] =	ssyncset.done $0x0  }
0x95: {  	[sflag:s25] =	ssyncadd.s32 $0xFFFFC000  }
0x96: {  	v3 =	vld [tilespmem:s0+$0xFFFFFFE0];
	_ =	sdelay $0x4  }
0x97: {  	v61 =	vshll.u32 v3, $0x3  }
0x98: {  	v3 =	vand.u32 $0x7, v3;
	v4 =	vand.u32 $0xFFFFFFC0, v61  }
0x99: {  	v3 =	vor.u32 v3, v4  }
0x9a: {  	v4 =	vperm.xlane v3, v0;
	_ =	sdelay $0x1  }
0x9b: {  	v4 =	vadd.s32 v1, v4;
	_ =	sdelay $0x4  }
0x9c: {  	[tilespmem:s11], [sflag:$0x2] =	stream.indirect_vreg.gather [hbm4b:s2+s3], $0x80, v4, vm0, $0xb8;
	[tilespmem:$0x10400] =	vst v63  }
0x9d: {  	v3 =	vperm.xlane v3, v2;
	s11 =	simm.s32 $0x4C00  }
0x9e: {  	[tilespmem:s11], [sflag:$0x2] =	stream.indirect_vreg.gather [hbm4b:s5+s3], $0x80, v4, vm0, $0xb8;
	[tilespmem:$0x10400] =	vst v63  }
0x9f: {  	v3 =	vadd.s32 v1, v3  }
0xa0: {  	[tilespmem:s18], [sflag:$0x2] =	stream.indirect_vreg.gather [hbm4b:s6+s3], $0x80, v4, vm0, $0xb8;
	[tilespmem:$0x10400] =	vst v63  }
0xa1: {  	s15 =	simm.s32 $0x5C00  }
0xa2: {  	[tilespmem:s15], [sflag:$0x2] =	stream.indirect_vreg.gather [hbm4b:s7+s3], $0x80, v4, vm0, $0xb8;
	[tilespmem:$0x10400] =	vst v63  }
0xa3: {  	_ = 	snop  }
0xa4: {  	[tilespmem:s20], [sflag:$0x2] =	stream.indirect_vreg.gather [hbm4b:s2+s3], $0x80, v3, vm0, $0xb8;
	[tilespmem:$0x10400] =	vst v63  }
0xa5: {  	s11 =	simm.s32 $0x6C00  }
0xa6: {  	[tilespmem:s11], [sflag:$0x2] =	stream.indirect_vreg.gather [hbm4b:s5+s3], $0x80, v3, vm0, $0xb8;
	[tilespmem:$0x10400] =	vst v63  }
0xa7: {  	_ = 	snop  }
0xa8: {  	[tilespmem:s14], [sflag:$0x2] =	stream.indirect_vreg.gather [hbm4b:s6+s3], $0x80, v3, vm0, $0xb8;
	[tilespmem:$0x10400] =	vst v63  }
0xa9: {  	s15 =	simm.s32 $0x7C00  }
0xaa: {  	[tilespmem:s15], [sflag:$0x2] =	stream.indirect_vreg.gather [hbm4b:s7+s3], $0x80, v3, vm0, $0xb8;
	[tilespmem:$0x10400] =	vst v63  }
0xab: {  	_ =	swait.ge [sflag:s26], $0x4000  }
0xac: {  	[sflag:s26] =	ssyncset.done $0x0  }
0xad: {  	s11 =	sadd.s32 $0x1000, s4;
	s15 =	simm.s32 $0x8400;
	[sflag:s26] =	ssyncadd.s32 $0xFFFFC000  }
0xae: {  	[hbm4b:s11+s3] =	stream.linear.scatter [tilespmem:s15], [sflag:$0x7], $0x4000, $0x38;
	[tilespmem:$0x10400] =	vst v63  }
0xaf: {  	_ =	swait.ge [sflag:s28], $0x4000  }
0xb0: {  	[sflag:s28] =	ssyncset.done $0x0  }
0xb1: {  	[sflag:s28] =	ssyncadd.s32 $0xFFFFC000  }
0xb2: {  	v3 =	vld [tilespmem:s0+$0xFFFFFFF0];
	_ =	sdelay $0x4  }
0xb3: {  	v62 =	vshll.u32 v3, $0x3  }
0xb4: {  	v3 =	vand.u32 $0x7, v3;
	v4 =	vand.u32 $0xFFFFFFC0, v62  }
0xb5: {  	v3 =	vor.u32 v3, v4  }
0xb6: {  	v4 =	vperm.xlane v3, v0;
	_ =	sdelay $0x1  }
0xb7: {  	v4 =	vadd.s32 v1, v4;
	_ =	sdelay $0x4  }
0xb8: {  	[tilespmem:s15], [sflag:$0x3] =	stream.indirect_vreg.gather [hbm4b:s2+s3], $0x80, v4, vm0, $0xb8;
	[tilespmem:$0x10400] =	vst v63  }
0xb9: {  	v3 =	vperm.xlane v3, v2;
	s15 =	simm.s32 $0x8C00  }
0xba: {  	[tilespmem:s15], [sflag:$0x3] =	stream.indirect_vreg.gather [hbm4b:s5+s3], $0x80, v4, vm0, $0xb8;
	[tilespmem:$0x10400] =	vst v63  }
0xbb: {  	v3 =	vadd.s32 v1, v3;
	s15 =	simm.s32 $0x9400  }
0xbc: {  	[tilespmem:s15], [sflag:$0x3] =	stream.indirect_vreg.gather [hbm4b:s6+s3], $0x80, v4, vm0, $0xb8;
	[tilespmem:$0x10400] =	vst v63  }
0xbd: {  	s15 =	simm.s32 $0x9C00  }
0xbe: {  	[tilespmem:s15], [sflag:$0x3] =	stream.indirect_vreg.gather [hbm4b:s7+s3], $0x80, v4, vm0, $0xb8;
	[tilespmem:$0x10400] =	vst v63  }
0xbf: {  	s15 =	simm.s32 $0xA400  }
0xc0: {  	[tilespmem:s15], [sflag:$0x3] =	stream.indirect_vreg.gather [hbm4b:s2+s3], $0x80, v3, vm0, $0xb8;
	[tilespmem:$0x10400] =	vst v63  }
0xc1: {  	s15 =	simm.s32 $0xAC00  }
0xc2: {  	[tilespmem:s15], [sflag:$0x3] =	stream.indirect_vreg.gather [hbm4b:s5+s3], $0x80, v3, vm0, $0xb8;
	[tilespmem:$0x10400] =	vst v63  }
0xc3: {  	s15 =	simm.s32 $0xB400  }
0xc4: {  	[tilespmem:s15], [sflag:$0x3] =	stream.indirect_vreg.gather [hbm4b:s6+s3], $0x80, v3, vm0, $0xb8;
	[tilespmem:$0x10400] =	vst v63  }
0xc5: {  	s15 =	simm.s32 $0xBC00  }
0xc6: {  	[tilespmem:s15], [sflag:$0x3] =	stream.indirect_vreg.gather [hbm4b:s7+s3], $0x80, v3, vm0, $0xb8;
	[tilespmem:$0x10400] =	vst v63  }
0xc7: {  	_ =	swait.ge [sflag:s29], $0x4000  }
0xc8: {  	[sflag:s29] =	ssyncset.done $0x0  }
0xc9: {  	s15 =	sadd.s32 $0x1800, s4;
	[sflag:s29] =	ssyncadd.s32 $0xFFFFC000  }
0xca: {  	[hbm4b:s15+s3] =	stream.linear.scatter [tilespmem:s13], [sflag:$0x8], $0x4000, $0x38;
	[tilespmem:$0x10400] =	vst v63  }
0xcb: {  	_ =	swait.ge [sflag:s30], $0x4000  }
0xcc: {  	[sflag:s30] =	ssyncset.done $0x0  }
0xcd: {  	[sflag:s30] =	ssyncadd.s32 $0xFFFFC000  }
0xce: {  	v3 =	vld [tilespmem:s0+$0x0];
	_ =	sdelay $0x4  }
0xcf: {  	v63 =	vshll.u32 v3, $0x3  }
0xd0: {  	v3 =	vand.u32 $0x7, v3;
	v4 =	vand.u32 $0xFFFFFFC0, v63  }
0xd1: {  	v3 =	vor.u32 v3, v4  }
0xd2: {  	v4 =	vperm.xlane v3, v0;
	_ =	sdelay $0x1  }
0xd3: {  	v4 =	vadd.s32 v1, v4;
	_ =	sdelay $0x4  }
0xd4: {  	[tilespmem:s13], [sflag:$0x4] =	stream.indirect_vreg.gather [hbm4b:s2+s3], $0x80, v4, vm0, $0xb8;
	[tilespmem:$0x10400] =	vst v63  }
0xd5: {  	s15 =	simm.s32 $0xCC00;
	v3 =	vperm.xlane v3, v2  }
0xd6: {  	[tilespmem:s15], [sflag:$0x4] =	stream.indirect_vreg.gather [hbm4b:s5+s3], $0x80, v4, vm0, $0xb8;
	[tilespmem:$0x10400] =	vst v63  }
0xd7: {  	v3 =	vadd.s32 v1, v3;
	s15 =	simm.s32 $0xD400  }
0xd8: {  	[tilespmem:s15], [sflag:$0x4] =	stream.indirect_vreg.gather [hbm4b:s6+s3], $0x80, v4, vm0, $0xb8;
	[tilespmem:$0x10400] =	vst v63  }
0xd9: {  	s15 =	simm.s32 $0xDC00  }
0xda: {  	[tilespmem:s15], [sflag:$0x4] =	stream.indirect_vreg.gather [hbm4b:s7+s3], $0x80, v4, vm0, $0xb8;
	[tilespmem:$0x10400] =	vst v63  }
0xdb: {  	s15 =	simm.s32 $0xE400  }
0xdc: {  	[tilespmem:s15], [sflag:$0x4] =	stream.indirect_vreg.gather [hbm4b:s2+s3], $0x80, v3, vm0, $0xb8;
	[tilespmem:$0x10400] =	vst v63  }
0xdd: {  	_ = 	snop  }
0xde: {  	[tilespmem:s17], [sflag:$0x4] =	stream.indirect_vreg.gather [hbm4b:s5+s3], $0x80, v3, vm0, $0xb8;
	[tilespmem:$0x10400] =	vst v63  }
0xdf: {  	_ = 	snop  }
0xe0: {  	[tilespmem:s19], [sflag:$0x4] =	stream.indirect_vreg.gather [hbm4b:s6+s3], $0x80, v3, vm0, $0xb8;
	[tilespmem:$0x10400] =	vst v63  }
0xe1: {  	p0 =	sne.s32 s1, $0x1C000  }
0xe2: {  	[tilespmem:s21], [sflag:$0x4] =	stream.indirect_vreg.gather [hbm4b:s7+s3], $0x80, v3, vm0, $0xb8;
	[tilespmem:$0x10400] =	vst v63  }
.Ltmp0:
0xe3: {  	_ =	swait.ge [sflag:s8], $0x4000;
	(pc) =	sbr.rel @p0 .LBB2_2-.Ltmp0, $4  }
0xe4: {  	s31 =	simm.s32 $0x4400;
	s9 =	simm.s32 $0x1400;
	[sflag:s8] =	ssyncset.done $0x0  }
0xe5: {  	s1 =	sadd.s32 $0x2000, s1;
	s4 =	sadd.s32 $0x2000, s4;
	[sflag:s8] =	ssyncadd.s32 $0xFFFFC000  }
0xe6: {  	[hbm4b:s4+s3] =	stream.linear.scatter [tilespmem:s22], [sflag:$0x5], $0x4000, $0x38;
	[tilespmem:$0x10400] =	vst v63  }
0xe7: {  	s11 =	simm.s32 $0x8400;
	s0 =	sadd.s32 $0x40, s0;
	s4 =	simm.s32 $0xC00  }
0xe8: {  	_ =	swait.ge [sflag:s24], $0x4000  }
0xe9: {  	[sflag:s24] =	ssyncset.done $0x0  }
0xea: {  	s0 =	rddreg [dreg:$0x7];
	[sflag:s24] =	ssyncadd.s32 $0xFFFFC000  }
0xeb: {  	[hbm4b:s0+s3] =	stream.linear.scatter [tilespmem:s31], [sflag:$0x6], $0x4000, $0x38;
	[tilespmem:$0x10400] =	vst v63  }
0xec: {  	_ =	swait.ge [sflag:s26], $0x4000  }
0xed: {  	[sflag:s26] =	ssyncset.done $0x0  }
0xee: {  	s20 =	rddreg [dreg:$0x8];
	[sflag:s26] =	ssyncadd.s32 $0xFFFFC000  }
0xef: {  	[hbm4b:s20+s3] =	stream.linear.scatter [tilespmem:s11], [sflag:$0x7], $0x4000, $0x38;
	[tilespmem:$0x10400] =	vst v63  }
0xf0: {  	_ =	swait.ge [sflag:s29], $0x4000  }
0xf1: {  	[sflag:s29] =	ssyncset.done $0x0  }
0xf2: {  	s21 =	rddreg [dreg:$0x9];
	[sflag:s29] =	ssyncadd.s32 $0xFFFFC000  }
0xf3: {  	[hbm4b:s21+s3] =	stream.linear.scatter [tilespmem:s13], [sflag:$0x8], $0x4000, $0x38;
	[tilespmem:$0x10400] =	vst v63  }
0xf4: {  	_ =	swait.ge [sflag:s23], $0x4000  }
0xf5: {  	[sflag:s23] =	ssyncset.done $0x0  }
0xf6: {  	[sflag:s23] =	ssyncadd.s32 $0xFFFFC000  }
0xf7: {  	_ =	swait.ge [sflag:s25], $0x4000  }
0xf8: {  	[sflag:s25] =	ssyncset.done $0x0  }
0xf9: {  	[sflag:s25] =	ssyncadd.s32 $0xFFFFC000  }
0xfa: {  	_ =	swait.ge [sflag:s28], $0x4000  }
0xfb: {  	[sflag:s28] =	ssyncset.done $0x0  }
0xfc: {  	[sflag:s28] =	ssyncadd.s32 $0xFFFFC000  }
0xfd: {  	_ =	swait.ge [sflag:s30], $0x4000  }
0xfe: {  	s1 =	rddreg [dreg:$0xb]  }
0xff: {  	s22 =	rddreg [dreg:$0xa];
	s1 =	sadd.s32 $0x1, s1  }
0x100: {  	s10 =	simm.s32 $0x2400;
	p0 =	sne.s32 s1, s22  }
.Ltmp1:
0x101: {  	s12 =	simm.s32 $0x3400;
	s15 =	simm.s32 $0x3C00;
	(pc) =	sbr.rel @p0 .LBB2_1-.Ltmp1, $4  }
0x102: {  	s16 =	simm.s32 $0x4C00;
	s17 =	simm.s32 $0x5400;
	s18 =	simm.s32 $0x5C00  }
0x103: {  	s19 =	simm.s32 $0x6400;
	s14 =	simm.s32 $0x7400;
	[sflag:s30] =	ssyncset.done $0x0  }
0x104: {  	s20 =	simm.s32 $0x6C00;
	s21 =	simm.s32 $0x400;
	[sflag:s30] =	ssyncadd.s32 $0xFFFFC000  }
0x105: {  	[dreg:$0xb] =	wrdreg s1;
	s1 =	simm.s32 $0x1C00;
	s22 =	simm.s32 $0x2C00  }
0x106: {  	_ =	sfence.sel $0x180000  }
0x107: {  	[bflag:$0x0] =	sbarrier.arrive $0xFFFF  }
0x108: {  	_ =	strace $0x90000047  }
0x109: {  	s0 =	stileid.u32;
	[bflag:$0x2] =	sbarrier.arrive $0xFFFF  }
0x10a: {  	p0 =	sne.s32 s0, $0x0;
	s0 =	rddreg [dreg:$0x3]  }
0x10b: {  	s0 =	sadd.s32 @!p0 $0x100000, s0  }
0x10c: {  	[sflag:s0] =	ssyncadd.tile.s32 @!p0 $0x1;
	_ =	shalt  }
.Lfunc_end2:
_tile_overlayer_lowered:
.L_overlay_start_2:
0x10d: {  	(tag) =	ssettag $0x2  }
0x10e: {  	s0 =	rddreg [dreg:$0x0];
	s2 =	stileid.u32  }
0x10f: {  	s1 =	rddreg [dreg:$0x1];
	p0 =	sne.s32 s2, $0x0  }
0x110: {  	s3 =	rddreg [dreg:$0x2];
	[bflag:$0x3] =	sbarrier.arrive $0xFFFF;
	s2 =	simm.s32 @!p0 $0x1C09  }
0x111: {  	[timem:s3], [sflag:s2] =	dma.local @!p0 [hbm:s0], s1  }
0x112: {  	s0 =	simm.s32 @!p0 $0x9  }
0x113: {  	_ =	swait.ge @!p0 [sflag:s0], s1  }
0x114: {  	s1 =	ssub.s32 @!p0 $0x0, s1;
	[sflag:s0] =	ssyncset.done @!p0 $0x0  }
0x115: {  	[sflag:s0] =	ssyncadd.s32 @!p0 s1  }
0x116: {  	[bflag:$0x3] =	sbarrier.arrive $0xFFFF  }
0x117: {  	_ =	shalt  }

</sc_bundles>
